<compile_context>
chip_gen: v7x
topology: tpu7x:2x2x1
jax: 0.10.2.dev20260603
libtpu: 0.0.44.dev20260713+nightly
codegen_flags: <defaults>
</compile_context>

<pallas_src>
import functools
import jax
import jax.numpy as jnp
from jax import lax
from jax.experimental import pallas as pl
from jax.experimental.pallas import tpu as pltpu, tpu_sc as plsc

_CHUNK = 128
_NBUF = 4


def kernel(tokens, embedding_weight):
    seq_len = tokens.shape[1]
    _, d_model = embedding_weight.shape
    rows_per_w = seq_len // 2
    nchunk = rows_per_w // _CHUNK
    mesh = plsc.ScalarSubcoreMesh(axis_name="c", num_cores=2)

    @functools.partial(
        pl.kernel,
        mesh=mesh,
        out_type=jax.ShapeDtypeStruct((seq_len, d_model), jnp.float32),
        scratch_types=(
            [pltpu.VMEM_SHARED((_NBUF, _CHUNK, d_model), jnp.float32)]
            + [pltpu.SemaphoreType.DMA] * (2 * _NBUF)
        ),
    )
    def k(table, out, ring, *sems):
        lsems = sems[:_NBUF]
        ssems = sems[_NBUF:]
        base = lax.axis_index("c") * rows_per_w

        def load(c):
            b = c % _NBUF
            return pltpu.make_async_copy(
                table.at[pl.ds(base + c * _CHUNK, _CHUNK)], ring.at[b], lsems[b]
            )

        def store(c):
            b = c % _NBUF
            return pltpu.make_async_copy(
                ring.at[b], out.at[pl.ds(base + c * _CHUNK, _CHUNK)], ssems[b]
            )

        for c in range(min(_NBUF, nchunk)):
            load(c).start()
        for c in range(nchunk):
            if c >= _NBUF:
                store(c - _NBUF).wait()
                load(c).start()
            load(c).wait()
            store(c).start()
        for c in range(max(nchunk - _NBUF, 0), nchunk):
            store(c).wait()

    return k(embedding_weight)[None]

# --- scband reference (transcript-rebuilt; emitter-appended) ---
"""Pipeline reference for scband-learned-positional-encoding-11751030522737 (READ-ONLY COPY).

The authoritative reference and input builder live on the scoring server;
editing this copy changes nothing except your own understanding.
"""

import jax, jax.numpy as jnp
import numpy as np

D_MODEL = 2048
MAX_LENGTH = 8192
BATCH = 4
SEQ_LEN = 8192

def setup_inputs(seed: int = 0) -> dict:
    key = jax.random.key(seed)
    k_tok, k_emb = jax.random.split(key)
    tokens = jax.random.randint(k_tok, (BATCH, SEQ_LEN), 0, MAX_LENGTH, dtype=jnp.int64 if jax.config.jax_enable_x64 else jnp.int32)
    # learned positional embedding table, same init scale as nn.Embedding (N(0,1))
    embedding_weight = jax.random.normal(k_emb, (MAX_LENGTH, D_MODEL), dtype=jnp.float32)
    return {"tokens": tokens, "embedding_weight": embedding_weight}

def reference(tokens, embedding_weight):
    # positions = arange(seq_len).unsqueeze(0) -> [1, S]
    positions = jnp.arange(tokens.shape[1])[None, :]
    # embedding lookup: table[positions] -> [1, S, d_model]
    return jnp.take(embedding_weight, positions, axis=0)

if __name__ == "__main__":
    import jax
    _d = setup_inputs()
    print(jax.jit(kernel)(*tuple(_d.values())))

</pallas_src>

<mosaic_0001>
#map = affine_map<(d0) -> (0, 0)>
module attributes {stable_mosaic.version = 14 : i64} {
  func.func @k(%arg0: i32, %arg1: memref<8192x2048xf32, #tpu.memory_space<hbm>>, %arg2: memref<8192x2048xf32, #tpu.memory_space<hbm>>, %arg3: memref<4x128x2048xf32, #tpu.memory_space<vmem_shared>>, %arg4: memref<!tpu.dma_semaphore, #tpu.memory_space<semaphore_mem>>, %arg5: memref<!tpu.dma_semaphore, #tpu.memory_space<semaphore_mem>>, %arg6: memref<!tpu.dma_semaphore, #tpu.memory_space<semaphore_mem>>, %arg7: memref<!tpu.dma_semaphore, #tpu.memory_space<semaphore_mem>>, %arg8: memref<!tpu.dma_semaphore, #tpu.memory_space<semaphore_mem>>, %arg9: memref<!tpu.dma_semaphore, #tpu.memory_space<semaphore_mem>>, %arg10: memref<!tpu.dma_semaphore, #tpu.memory_space<semaphore_mem>>, %arg11: memref<!tpu.dma_semaphore, #tpu.memory_space<semaphore_mem>>) attributes {dimension_semantics = [#tpu.dimension_semantics<core_parallel>], iteration_bounds = array<i64: 2>, scalar_prefetch = 0 : i64, scratch_operands = 9 : i64, tpu.core_type = #tpu.core_type<sc_scalar_subcore>, window_params = [{transform_indices = #map}, {transform_indices = #map}]} {
    %mul3A = arith.constant 4096 : i32
    %mul3A_0 = arith.muli %arg0, %mul3A : i32
    %add3A = arith.constant 0 : i32
    %add3A_1 = arith.addi %mul3A_0, %add3A : i32
    %dma_start3A = arith.constant 0 : i32
    %dma_start3A_2 = arith.constant 0 : i32
    %dma_start3A_3 = arith.constant 0 : i32
    %dma_start3A_4 = tpu.memref_slice %arg3[%dma_start3A, %dma_start3A_2, %dma_start3A_3] : memref<4x128x2048xf32, #tpu.memory_space<vmem_shared>> -> memref<1x128x2048xf32, #tpu.memory_space<vmem_shared>>
    %dma_start3A_5 = tpu.memref_squeeze %dma_start3A_4 : memref<1x128x2048xf32, #tpu.memory_space<vmem_shared>> -> memref<128x2048xf32, #tpu.memory_space<vmem_shared>>
    %dma_start3A_6 = arith.constant 0 : i32
    %dma_start3A_7 = tpu.memref_slice %arg1[%add3A_1, %dma_start3A_6] : memref<8192x2048xf32, #tpu.memory_space<hbm>> -> memref<128x2048xf32, #tpu.memory_space<hbm>>
    tpu.enqueue_dma source(%dma_start3A_7 : memref<128x2048xf32, #tpu.memory_space<hbm>>) target(%dma_start3A_5 : memref<128x2048xf32, #tpu.memory_space<vmem_shared>>) target_semaphore(%arg4 : memref<!tpu.dma_semaphore, #tpu.memory_space<semaphore_mem>>)
    %add3A_8 = arith.constant 128 : i32
    %add3A_9 = arith.addi %mul3A_0, %add3A_8 : i32
    %dma_start3A_10 = arith.constant 1 : i32
    %dma_start3A_11 = arith.constant 0 : i32
    %dma_start3A_12 = arith.constant 0 : i32
    %dma_start3A_13 = tpu.memref_slice %arg3[%dma_start3A_10, %dma_start3A_11, %dma_start3A_12] : memref<4x128x2048xf32, #tpu.memory_space<vmem_shared>> -> memref<1x128x2048xf32, #tpu.memory_space<vmem_shared>>
    %dma_start3A_14 = tpu.memref_squeeze %dma_start3A_13 : memref<1x128x2048xf32, #tpu.memory_space<vmem_shared>> -> memref<128x2048xf32, #tpu.memory_space<vmem_shared>>
    %dma_start3A_15 = arith.constant 0 : i32
    %dma_start3A_16 = tpu.memref_slice %arg1[%add3A_9, %dma_start3A_15] : memref<8192x2048xf32, #tpu.memory_space<hbm>> -> memref<128x2048xf32, #tpu.memory_space<hbm>>
    tpu.enqueue_dma source(%dma_start3A_16 : memref<128x2048xf32, #tpu.memory_space<hbm>>) target(%dma_start3A_14 : memref<128x2048xf32, #tpu.memory_space<vmem_shared>>) target_semaphore(%arg5 : memref<!tpu.dma_semaphore, #tpu.memory_space<semaphore_mem>>)
    %add3A_17 = arith.constant 256 : i32
    %add3A_18 = arith.addi %mul3A_0, %add3A_17 : i32
    %dma_start3A_19 = arith.constant 2 : i32
    %dma_start3A_20 = arith.constant 0 : i32
    %dma_start3A_21 = arith.constant 0 : i32
    %dma_start3A_22 = tpu.memref_slice %arg3[%dma_start3A_19, %dma_start3A_20, %dma_start3A_21] : memref<4x128x2048xf32, #tpu.memory_space<vmem_shared>> -> memref<1x128x2048xf32, #tpu.memory_space<vmem_shared>>
    %dma_start3A_23 = tpu.memref_squeeze %dma_start3A_22 : memref<1x128x2048xf32, #tpu.memory_space<vmem_shared>> -> memref<128x2048xf32, #tpu.memory_space<vmem_shared>>
    %dma_start3A_24 = arith.constant 0 : i32
    %dma_start3A_25 = tpu.memref_slice %arg1[%add3A_18, %dma_start3A_24] : memref<8192x2048xf32, #tpu.memory_space<hbm>> -> memref<128x2048xf32, #tpu.memory_space<hbm>>
    tpu.enqueue_dma source(%dma_start3A_25 : memref<128x2048xf32, #tpu.memory_space<hbm>>) target(%dma_start3A_23 : memref<128x2048xf32, #tpu.memory_space<vmem_shared>>) target_semaphore(%arg6 : memref<!tpu.dma_semaphore, #tpu.memory_space<semaphore_mem>>)
    %add3A_26 = arith.constant 384 : i32
    %add3A_27 = arith.addi %mul3A_0, %add3A_26 : i32
    %dma_start3A_28 = arith.constant 3 : i32
    %dma_start3A_29 = arith.constant 0 : i32
    %dma_start3A_30 = arith.constant 0 : i32
    %dma_start3A_31 = tpu.memref_slice %arg3[%dma_start3A_28, %dma_start3A_29, %dma_start3A_30] : memref<4x128x2048xf32, #tpu.memory_space<vmem_shared>> -> memref<1x128x2048xf32, #tpu.memory_space<vmem_shared>>
    %dma_start3A_32 = tpu.memref_squeeze %dma_start3A_31 : memref<1x128x2048xf32, #tpu.memory_space<vmem_shared>> -> memref<128x2048xf32, #tpu.memory_space<vmem_shared>>
    %dma_start3A_33 = arith.constant 0 : i32
    %dma_start3A_34 = tpu.memref_slice %arg1[%add3A_27, %dma_start3A_33] : memref<8192x2048xf32, #tpu.memory_space<hbm>> -> memref<128x2048xf32, #tpu.memory_space<hbm>>
    tpu.enqueue_dma source(%dma_start3A_34 : memref<128x2048xf32, #tpu.memory_space<hbm>>) target(%dma_start3A_32 : memref<128x2048xf32, #tpu.memory_space<vmem_shared>>) target_semaphore(%arg7 : memref<!tpu.dma_semaphore, #tpu.memory_space<semaphore_mem>>)
    %add3A_35 = arith.constant 0 : i32
    %add3A_36 = arith.addi %mul3A_0, %add3A_35 : i32
    %dma_wait3A = arith.constant 0 : i32
    %dma_wait3A_37 = arith.constant 0 : i32
    %dma_wait3A_38 = arith.constant 0 : i32
    %dma_wait3A_39 = tpu.memref_slice %arg3[%dma_wait3A, %dma_wait3A_37, %dma_wait3A_38] : memref<4x128x2048xf32, #tpu.memory_space<vmem_shared>> -> memref<1x128x2048xf32, #tpu.memory_space<vmem_shared>>
    %dma_wait3A_40 = tpu.memref_squeeze %dma_wait3A_39 : memref<1x128x2048xf32, #tpu.memory_space<vmem_shared>> -> memref<128x2048xf32, #tpu.memory_space<vmem_shared>>
    %dma_wait3A_41 = arith.constant 0 : i32
    %dma_wait3A_42 = tpu.memref_slice %arg1[%add3A_36, %dma_wait3A_41] : memref<8192x2048xf32, #tpu.memory_space<hbm>> -> memref<128x2048xf32, #tpu.memory_space<hbm>>
    tpu.wait_dma2 semaphore(%arg4 : memref<!tpu.dma_semaphore, #tpu.memory_space<semaphore_mem>>) src(%dma_wait3A_42 : memref<128x2048xf32, #tpu.memory_space<hbm>>) dst(%dma_wait3A_40 : memref<128x2048xf32, #tpu.memory_space<vmem_shared>>)
    %add3A_43 = arith.constant 0 : i32
    %add3A_44 = arith.addi %mul3A_0, %add3A_43 : i32
    %dma_start3A_45 = arith.constant 0 : i32
    %dma_start3A_46 = arith.constant 0 : i32
    %dma_start3A_47 = tpu.memref_slice %arg2[%add3A_44, %dma_start3A_46] : memref<8192x2048xf32, #tpu.memory_space<hbm>> -> memref<128x2048xf32, #tpu.memory_space<hbm>>
    %dma_start3A_48 = arith.constant 0 : i32
    %dma_start3A_49 = arith.constant 0 : i32
    %dma_start3A_50 = tpu.memref_slice %arg3[%dma_start3A_45, %dma_start3A_48, %dma_start3A_49] : memref<4x128x2048xf32, #tpu.memory_space<vmem_shared>> -> memref<1x128x2048xf32, #tpu.memory_space<vmem_shared>>
    %dma_start3A_51 = tpu.memref_squeeze %dma_start3A_50 : memref<1x128x2048xf32, #tpu.memory_space<vmem_shared>> -> memref<128x2048xf32, #tpu.memory_space<vmem_shared>>
    tpu.enqueue_dma source(%dma_start3A_51 : memref<128x2048xf32, #tpu.memory_space<vmem_shared>>) target(%dma_start3A_47 : memref<128x2048xf32, #tpu.memory_space<hbm>>) target_semaphore(%arg8 : memref<!tpu.dma_semaphore, #tpu.memory_space<semaphore_mem>>)
    %add3A_52 = arith.constant 128 : i32
    %add3A_53 = arith.addi %mul3A_0, %add3A_52 : i32
    %dma_wait3A_54 = arith.constant 1 : i32
    %dma_wait3A_55 = arith.constant 0 : i32
    %dma_wait3A_56 = arith.constant 0 : i32
    %dma_wait3A_57 = tpu.memref_slice %arg3[%dma_wait3A_54, %dma_wait3A_55, %dma_wait3A_56] : memref<4x128x2048xf32, #tpu.memory_space<vmem_shared>> -> memref<1x128x2048xf32, #tpu.memory_space<vmem_shared>>
    %dma_wait3A_58 = tpu.memref_squeeze %dma_wait3A_57 : memref<1x128x2048xf32, #tpu.memory_space<vmem_shared>> -> memref<128x2048xf32, #tpu.memory_space<vmem_shared>>
    %dma_wait3A_59 = arith.constant 0 : i32
    %dma_wait3A_60 = tpu.memref_slice %arg1[%add3A_53, %dma_wait3A_59] : memref<8192x2048xf32, #tpu.memory_space<hbm>> -> memref<128x2048xf32, #tpu.memory_space<hbm>>
    tpu.wait_dma2 semaphore(%arg5 : memref<!tpu.dma_semaphore, #tpu.memory_space<semaphore_mem>>) src(%dma_wait3A_60 : memref<128x2048xf32, #tpu.memory_space<hbm>>) dst(%dma_wait3A_58 : memref<128x2048xf32, #tpu.memory_space<vmem_shared>>)
    %add3A_61 = arith.constant 128 : i32
    %add3A_62 = arith.addi %mul3A_0, %add3A_61 : i32
    %dma_start3A_63 = arith.constant 1 : i32
    %dma_start3A_64 = arith.constant 0 : i32
    %dma_start3A_65 = tpu.memref_slice %arg2[%add3A_62, %dma_start3A_64] : memref<8192x2048xf32, #tpu.memory_space<hbm>> -> memref<128x2048xf32, #tpu.memory_space<hbm>>
    %dma_start3A_66 = arith.constant 0 : i32
    %dma_start3A_67 = arith.constant 0 : i32
    %dma_start3A_68 = tpu.memref_slice %arg3[%dma_start3A_63, %dma_start3A_66, %dma_start3A_67] : memref<4x128x2048xf32, #tpu.memory_space<vmem_shared>> -> memref<1x128x2048xf32, #tpu.memory_space<vmem_shared>>
    %dma_start3A_69 = tpu.memref_squeeze %dma_start3A_68 : memref<1x128x2048xf32, #tpu.memory_space<vmem_shared>> -> memref<128x2048xf32, #tpu.memory_space<vmem_shared>>
    tpu.enqueue_dma source(%dma_start3A_69 : memref<128x2048xf32, #tpu.memory_space<vmem_shared>>) target(%dma_start3A_65 : memref<128x2048xf32, #tpu.memory_space<hbm>>) target_semaphore(%arg9 : memref<!tpu.dma_semaphore, #tpu.memory_space<semaphore_mem>>)
    %add3A_70 = arith.constant 256 : i32
    %add3A_71 = arith.addi %mul3A_0, %add3A_70 : i32
    %dma_wait3A_72 = arith.constant 2 : i32
    %dma_wait3A_73 = arith.constant 0 : i32
    %dma_wait3A_74 = arith.constant 0 : i32
    %dma_wait3A_75 = tpu.memref_slice %arg3[%dma_wait3A_72, %dma_wait3A_73, %dma_wait3A_74] : memref<4x128x2048xf32, #tpu.memory_space<vmem_shared>> -> memref<1x128x2048xf32, #tpu.memory_space<vmem_shared>>
    %dma_wait3A_76 = tpu.memref_squeeze %dma_wait3A_75 : memref<1x128x2048xf32, #tpu.memory_space<vmem_shared>> -> memref<128x2048xf32, #tpu.memory_space<vmem_shared>>
    %dma_wait3A_77 = arith.constant 0 : i32
    %dma_wait3A_78 = tpu.memref_slice %arg1[%add3A_71, %dma_wait3A_77] : memref<8192x2048xf32, #tpu.memory_space<hbm>> -> memref<128x2048xf32, #tpu.memory_space<hbm>>
    tpu.wait_dma2 semaphore(%arg6 : memref<!tpu.dma_semaphore, #tpu.memory_space<semaphore_mem>>) src(%dma_wait3A_78 : memref<128x2048xf32, #tpu.memory_space<hbm>>) dst(%dma_wait3A_76 : memref<128x2048xf32, #tpu.memory_space<vmem_shared>>)
    %add3A_79 = arith.constant 256 : i32
    %add3A_80 = arith.addi %mul3A_0, %add3A_79 : i32
    %dma_start3A_81 = arith.constant 2 : i32
    %dma_start3A_82 = arith.constant 0 : i32
    %dma_start3A_83 = tpu.memref_slice %arg2[%add3A_80, %dma_start3A_82] : memref<8192x2048xf32, #tpu.memory_space<hbm>> -> memref<128x2048xf32, #tpu.memory_space<hbm>>
    %dma_start3A_84 = arith.constant 0 : i32
    %dma_start3A_85 = arith.constant 0 : i32
    %dma_start3A_86 = tpu.memref_slice %arg3[%dma_start3A_81, %dma_start3A_84, %dma_start3A_85] : memref<4x128x2048xf32, #tpu.memory_space<vmem_shared>> -> memref<1x128x2048xf32, #tpu.memory_space<vmem_shared>>
    %dma_start3A_87 = tpu.memref_squeeze %dma_start3A_86 : memref<1x128x2048xf32, #tpu.memory_space<vmem_shared>> -> memref<128x2048xf32, #tpu.memory_space<vmem_shared>>
    tpu.enqueue_dma source(%dma_start3A_87 : memref<128x2048xf32, #tpu.memory_space<vmem_shared>>) target(%dma_start3A_83 : memref<128x2048xf32, #tpu.memory_space<hbm>>) target_semaphore(%arg10 : memref<!tpu.dma_semaphore, #tpu.memory_space<semaphore_mem>>)
    %add3A_88 = arith.constant 384 : i32
    %add3A_89 = arith.addi %mul3A_0, %add3A_88 : i32
    %dma_wait3A_90 = arith.constant 3 : i32
    %dma_wait3A_91 = arith.constant 0 : i32
    %dma_wait3A_92 = arith.constant 0 : i32
    %dma_wait3A_93 = tpu.memref_slice %arg3[%dma_wait3A_90, %dma_wait3A_91, %dma_wait3A_92] : memref<4x128x2048xf32, #tpu.memory_space<vmem_shared>> -> memref<1x128x2048xf32, #tpu.memory_space<vmem_shared>>
    %dma_wait3A_94 = tpu.memref_squeeze %dma_wait3A_93 : memref<1x128x2048xf32, #tpu.memory_space<vmem_shared>> -> memref<128x2048xf32, #tpu.memory_space<vmem_shared>>
    %dma_wait3A_95 = arith.constant 0 : i32
    %dma_wait3A_96 = tpu.memref_slice %arg1[%add3A_89, %dma_wait3A_95] : memref<8192x2048xf32, #tpu.memory_space<hbm>> -> memref<128x2048xf32, #tpu.memory_space<hbm>>
    tpu.wait_dma2 semaphore(%arg7 : memref<!tpu.dma_semaphore, #tpu.memory_space<semaphore_mem>>) src(%dma_wait3A_96 : memref<128x2048xf32, #tpu.memory_space<hbm>>) dst(%dma_wait3A_94 : memref<128x2048xf32, #tpu.memory_space<vmem_shared>>)
    %add3A_97 = arith.constant 384 : i32
    %add3A_98 = arith.addi %mul3A_0, %add3A_97 : i32
    %dma_start3A_99 = arith.constant 3 : i32
    %dma_start3A_100 = arith.constant 0 : i32
    %dma_start3A_101 = tpu.memref_slice %arg2[%add3A_98, %dma_start3A_100] : memref<8192x2048xf32, #tpu.memory_space<hbm>> -> memref<128x2048xf32, #tpu.memory_space<hbm>>
    %dma_start3A_102 = arith.constant 0 : i32
    %dma_start3A_103 = arith.constant 0 : i32
    %dma_start3A_104 = tpu.memref_slice %arg3[%dma_start3A_99, %dma_start3A_102, %dma_start3A_103] : memref<4x128x2048xf32, #tpu.memory_space<vmem_shared>> -> memref<1x128x2048xf32, #tpu.memory_space<vmem_shared>>
    %dma_start3A_105 = tpu.memref_squeeze %dma_start3A_104 : memref<1x128x2048xf32, #tpu.memory_space<vmem_shared>> -> memref<128x2048xf32, #tpu.memory_space<vmem_shared>>
    tpu.enqueue_dma source(%dma_start3A_105 : memref<128x2048xf32, #tpu.memory_space<vmem_shared>>) target(%dma_start3A_101 : memref<128x2048xf32, #tpu.memory_space<hbm>>) target_semaphore(%arg11 : memref<!tpu.dma_semaphore, #tpu.memory_space<semaphore_mem>>)
    %add3A_106 = arith.constant 0 : i32
    %add3A_107 = arith.addi %mul3A_0, %add3A_106 : i32
    %dma_wait3A_108 = arith.constant 0 : i32
    %dma_wait3A_109 = arith.constant 0 : i32
    %dma_wait3A_110 = tpu.memref_slice %arg2[%add3A_107, %dma_wait3A_109] : memref<8192x2048xf32, #tpu.memory_space<hbm>> -> memref<128x2048xf32, #tpu.memory_space<hbm>>
    %dma_wait3A_111 = arith.constant 0 : i32
    %dma_wait3A_112 = arith.constant 0 : i32
    %dma_wait3A_113 = tpu.memref_slice %arg3[%dma_wait3A_108, %dma_wait3A_111, %dma_wait3A_112] : memref<4x128x2048xf32, #tpu.memory_space<vmem_shared>> -> memref<1x128x2048xf32, #tpu.memory_space<vmem_shared>>
    %dma_wait3A_114 = tpu.memref_squeeze %dma_wait3A_113 : memref<1x128x2048xf32, #tpu.memory_space<vmem_shared>> -> memref<128x2048xf32, #tpu.memory_space<vmem_shared>>
    tpu.wait_dma2 semaphore(%arg8 : memref<!tpu.dma_semaphore, #tpu.memory_space<semaphore_mem>>) src(%dma_wait3A_114 : memref<128x2048xf32, #tpu.memory_space<vmem_shared>>) dst(%dma_wait3A_110 : memref<128x2048xf32, #tpu.memory_space<hbm>>)
    %add3A_115 = arith.constant 512 : i32
    %add3A_116 = arith.addi %mul3A_0, %add3A_115 : i32
    %dma_start3A_117 = arith.constant 0 : i32
    %dma_start3A_118 = arith.constant 0 : i32
    %dma_start3A_119 = arith.constant 0 : i32
    %dma_start3A_120 = tpu.memref_slice %arg3[%dma_start3A_117, %dma_start3A_118, %dma_start3A_119] : memref<4x128x2048xf32, #tpu.memory_space<vmem_shared>> -> memref<1x128x2048xf32, #tpu.memory_space<vmem_shared>>
    %dma_start3A_121 = tpu.memref_squeeze %dma_start3A_120 : memref<1x128x2048xf32, #tpu.memory_space<vmem_shared>> -> memref<128x2048xf32, #tpu.memory_space<vmem_shared>>
    %dma_start3A_122 = arith.constant 0 : i32
    %dma_start3A_123 = tpu.memref_slice %arg1[%add3A_116, %dma_start3A_122] : memref<8192x2048xf32, #tpu.memory_space<hbm>> -> memref<128x2048xf32, #tpu.memory_space<hbm>>
    tpu.enqueue_dma source(%dma_start3A_123 : memref<128x2048xf32, #tpu.memory_space<hbm>>) target(%dma_start3A_121 : memref<128x2048xf32, #tpu.memory_space<vmem_shared>>) target_semaphore(%arg4 : memref<!tpu.dma_semaphore, #tpu.memory_space<semaphore_mem>>)
    %add3A_124 = arith.constant 512 : i32
    %add3A_125 = arith.addi %mul3A_0, %add3A_124 : i32
    %dma_wait3A_126 = arith.constant 0 : i32
    %dma_wait3A_127 = arith.constant 0 : i32
    %dma_wait3A_128 = arith.constant 0 : i32
    %dma_wait3A_129 = tpu.memref_slice %arg3[%dma_wait3A_126, %dma_wait3A_127, %dma_wait3A_128] : memref<4x128x2048xf32, #tpu.memory_space<vmem_shared>> -> memref<1x128x2048xf32, #tpu.memory_space<vmem_shared>>
    %dma_wait3A_130 = tpu.memref_squeeze %dma_wait3A_129 : memref<1x128x2048xf32, #tpu.memory_space<vmem_shared>> -> memref<128x2048xf32, #tpu.memory_space<vmem_shared>>
    %dma_wait3A_131 = arith.constant 0 : i32
    %dma_wait3A_132 = tpu.memref_slice %arg1[%add3A_125, %dma_wait3A_131] : memref<8192x2048xf32, #tpu.memory_space<hbm>> -> memref<128x2048xf32, #tpu.memory_space<hbm>>
    tpu.wait_dma2 semaphore(%arg4 : memref<!tpu.dma_semaphore, #tpu.memory_space<semaphore_mem>>) src(%dma_wait3A_132 : memref<128x2048xf32, #tpu.memory_space<hbm>>) dst(%dma_wait3A_130 : memref<128x2048xf32, #tpu.memory_space<vmem_shared>>)
    %add3A_133 = arith.constant 512 : i32
    %add3A_134 = arith.addi %mul3A_0, %add3A_133 : i32
    %dma_start3A_135 = arith.constant 0 : i32
    %dma_start3A_136 = arith.constant 0 : i32
    %dma_start3A_137 = tpu.memref_slice %arg2[%add3A_134, %dma_start3A_136] : memref<8192x2048xf32, #tpu.memory_space<hbm>> -> memref<128x2048xf32, #tpu.memory_space<hbm>>
    %dma_start3A_138 = arith.constant 0 : i32
    %dma_start3A_139 = arith.constant 0 : i32
    %dma_start3A_140 = tpu.memref_slice %arg3[%dma_start3A_135, %dma_start3A_138, %dma_start3A_139] : memref<4x128x2048xf32, #tpu.memory_space<vmem_shared>> -> memref<1x128x2048xf32, #tpu.memory_space<vmem_shared>>
    %dma_start3A_141 = tpu.memref_squeeze %dma_start3A_140 : memref<1x128x2048xf32, #tpu.memory_space<vmem_shared>> -> memref<128x2048xf32, #tpu.memory_space<vmem_shared>>
    tpu.enqueue_dma source(%dma_start3A_141 : memref<128x2048xf32, #tpu.memory_space<vmem_shared>>) target(%dma_start3A_137 : memref<128x2048xf32, #tpu.memory_space<hbm>>) target_semaphore(%arg8 : memref<!tpu.dma_semaphore, #tpu.memory_space<semaphore_mem>>)
    %add3A_142 = arith.constant 128 : i32
    %add3A_143 = arith.addi %mul3A_0, %add3A_142 : i32
    %dma_wait3A_144 = arith.constant 1 : i32
    %dma_wait3A_145 = arith.constant 0 : i32
    %dma_wait3A_146 = tpu.memref_slice %arg2[%add3A_143, %dma_wait3A_145] : memref<8192x2048xf32, #tpu.memory_space<hbm>> -> memref<128x2048xf32, #tpu.memory_space<hbm>>
    %dma_wait3A_147 = arith.constant 0 : i32
    %dma_wait3A_148 = arith.constant 0 : i32
    %dma_wait3A_149 = tpu.memref_slice %arg3[%dma_wait3A_144, %dma_wait3A_147, %dma_wait3A_148] : memref<4x128x2048xf32, #tpu.memory_space<vmem_shared>> -> memref<1x128x2048xf32, #tpu.memory_space<vmem_shared>>
    %dma_wait3A_150 = tpu.memref_squeeze %dma_wait3A_149 : memref<1x128x2048xf32, #tpu.memory_space<vmem_shared>> -> memref<128x2048xf32, #tpu.memory_space<vmem_shared>>
    tpu.wait_dma2 semaphore(%arg9 : memref<!tpu.dma_semaphore, #tpu.memory_space<semaphore_mem>>) src(%dma_wait3A_150 : memref<128x2048xf32, #tpu.memory_space<vmem_shared>>) dst(%dma_wait3A_146 : memref<128x2048xf32, #tpu.memory_space<hbm>>)
    %add3A_151 = arith.constant 640 : i32
    %add3A_152 = arith.addi %mul3A_0, %add3A_151 : i32
    %dma_start3A_153 = arith.constant 1 : i32
    %dma_start3A_154 = arith.constant 0 : i32
    %dma_start3A_155 = arith.constant 0 : i32
    %dma_start3A_156 = tpu.memref_slice %arg3[%dma_start3A_153, %dma_start3A_154, %dma_start3A_155] : memref<4x128x2048xf32, #tpu.memory_space<vmem_shared>> -> memref<1x128x2048xf32, #tpu.memory_space<vmem_shared>>
    %dma_start3A_157 = tpu.memref_squeeze %dma_start3A_156 : memref<1x128x2048xf32, #tpu.memory_space<vmem_shared>> -> memref<128x2048xf32, #tpu.memory_space<vmem_shared>>
    %dma_start3A_158 = arith.constant 0 : i32
    %dma_start3A_159 = tpu.memref_slice %arg1[%add3A_152, %dma_start3A_158] : memref<8192x2048xf32, #tpu.memory_space<hbm>> -> memref<128x2048xf32, #tpu.memory_space<hbm>>
    tpu.enqueue_dma source(%dma_start3A_159 : memref<128x2048xf32, #tpu.memory_space<hbm>>) target(%dma_start3A_157 : memref<128x2048xf32, #tpu.memory_space<vmem_shared>>) target_semaphore(%arg5 : memref<!tpu.dma_semaphore, #tpu.memory_space<semaphore_mem>>)
    %add3A_160 = arith.constant 640 : i32
    %add3A_161 = arith.addi %mul3A_0, %add3A_160 : i32
    %dma_wait3A_162 = arith.constant 1 : i32
    %dma_wait3A_163 = arith.constant 0 : i32
    %dma_wait3A_164 = arith.constant 0 : i32
    %dma_wait3A_165 = tpu.memref_slice %arg3[%dma_wait3A_162, %dma_wait3A_163, %dma_wait3A_164] : memref<4x128x2048xf32, #tpu.memory_space<vmem_shared>> -> memref<1x128x2048xf32, #tpu.memory_space<vmem_shared>>
    %dma_wait3A_166 = tpu.memref_squeeze %dma_wait3A_165 : memref<1x128x2048xf32, #tpu.memory_space<vmem_shared>> -> memref<128x2048xf32, #tpu.memory_space<vmem_shared>>
    %dma_wait3A_167 = arith.constant 0 : i32
    %dma_wait3A_168 = tpu.memref_slice %arg1[%add3A_161, %dma_wait3A_167] : memref<8192x2048xf32, #tpu.memory_space<hbm>> -> memref<128x2048xf32, #tpu.memory_space<hbm>>
    tpu.wait_dma2 semaphore(%arg5 : memref<!tpu.dma_semaphore, #tpu.memory_space<semaphore_mem>>) src(%dma_wait3A_168 : memref<128x2048xf32, #tpu.memory_space<hbm>>) dst(%dma_wait3A_166 : memref<128x2048xf32, #tpu.memory_space<vmem_shared>>)
    %add3A_169 = arith.constant 640 : i32
    %add3A_170 = arith.addi %mul3A_0, %add3A_169 : i32
    %dma_start3A_171 = arith.constant 1 : i32
    %dma_start3A_172 = arith.constant 0 : i32
    %dma_start3A_173 = tpu.memref_slice %arg2[%add3A_170, %dma_start3A_172] : memref<8192x2048xf32, #tpu.memory_space<hbm>> -> memref<128x2048xf32, #tpu.memory_space<hbm>>
    %dma_start3A_174 = arith.constant 0 : i32
    %dma_start3A_175 = arith.constant 0 : i32
    %dma_start3A_176 = tpu.memref_slice %arg3[%dma_start3A_171, %dma_start3A_174, %dma_start3A_175] : memref<4x128x2048xf32, #tpu.memory_space<vmem_shared>> -> memref<1x128x2048xf32, #tpu.memory_space<vmem_shared>>
    %dma_start3A_177 = tpu.memref_squeeze %dma_start3A_176 : memref<1x128x2048xf32, #tpu.memory_space<vmem_shared>> -> memref<128x2048xf32, #tpu.memory_space<vmem_shared>>
    tpu.enqueue_dma source(%dma_start3A_177 : memref<128x2048xf32, #tpu.memory_space<vmem_shared>>) target(%dma_start3A_173 : memref<128x2048xf32, #tpu.memory_space<hbm>>) target_semaphore(%arg9 : memref<!tpu.dma_semaphore, #tpu.memory_space<semaphore_mem>>)
    %add3A_178 = arith.constant 256 : i32
    %add3A_179 = arith.addi %mul3A_0, %add3A_178 : i32
    %dma_wait3A_180 = arith.constant 2 : i32
    %dma_wait3A_181 = arith.constant 0 : i32
    %dma_wait3A_182 = tpu.memref_slice %arg2[%add3A_179, %dma_wait3A_181] : memref<8192x2048xf32, #tpu.memory_space<hbm>> -> memref<128x2048xf32, #tpu.memory_space<hbm>>
    %dma_wait3A_183 = arith.constant 0 : i32
    %dma_wait3A_184 = arith.constant 0 : i32
    %dma_wait3A_185 = tpu.memref_slice %arg3[%dma_wait3A_180, %dma_wait3A_183, %dma_wait3A_184] : memref<4x128x2048xf32, #tpu.memory_space<vmem_shared>> -> memref<1x128x2048xf32, #tpu.memory_space<vmem_shared>>
    %dma_wait3A_186 = tpu.memref_squeeze %dma_wait3A_185 : memref<1x128x2048xf32, #tpu.memory_space<vmem_shared>> -> memref<128x2048xf32, #tpu.memory_space<vmem_shared>>
    tpu.wait_dma2 semaphore(%arg10 : memref<!tpu.dma_semaphore, #tpu.memory_space<semaphore_mem>>) src(%dma_wait3A_186 : memref<128x2048xf32, #tpu.memory_space<vmem_shared>>) dst(%dma_wait3A_182 : memref<128x2048xf32, #tpu.memory_space<hbm>>)
    %add3A_187 = arith.constant 768 : i32
    %add3A_188 = arith.addi %mul3A_0, %add3A_187 : i32
    %dma_start3A_189 = arith.constant 2 : i32
    %dma_start3A_190 = arith.constant 0 : i32
    %dma_start3A_191 = arith.constant 0 : i32
    %dma_start3A_192 = tpu.memref_slice %arg3[%dma_start3A_189, %dma_start3A_190, %dma_start3A_191] : memref<4x128x2048xf32, #tpu.memory_space<vmem_shared>> -> memref<1x128x2048xf32, #tpu.memory_space<vmem_shared>>
    %dma_start3A_193 = tpu.memref_squeeze %dma_start3A_192 : memref<1x128x2048xf32, #tpu.memory_space<vmem_shared>> -> memref<128x2048xf32, #tpu.memory_space<vmem_shared>>
    %dma_start3A_194 = arith.constant 0 : i32
    %dma_start3A_195 = tpu.memref_slice %arg1[%add3A_188, %dma_start3A_194] : memref<8192x2048xf32, #tpu.memory_space<hbm>> -> memref<128x2048xf32, #tpu.memory_space<hbm>>
    tpu.enqueue_dma source(%dma_start3A_195 : memref<128x2048xf32, #tpu.memory_space<hbm>>) target(%dma_start3A_193 : memref<128x2048xf32, #tpu.memory_space<vmem_shared>>) target_semaphore(%arg6 : memref<!tpu.dma_semaphore, #tpu.memory_space<semaphore_mem>>)
    %add3A_196 = arith.constant 768 : i32
    %add3A_197 = arith.addi %mul3A_0, %add3A_196 : i32
    %dma_wait3A_198 = arith.constant 2 : i32
    %dma_wait3A_199 = arith.constant 0 : i32
    %dma_wait3A_200 = arith.constant 0 : i32
    %dma_wait3A_201 = tpu.memref_slice %arg3[%dma_wait3A_198, %dma_wait3A_199, %dma_wait3A_200] : memref<4x128x2048xf32, #tpu.memory_space<vmem_shared>> -> memref<1x128x2048xf32, #tpu.memory_space<vmem_shared>>
    %dma_wait3A_202 = tpu.memref_squeeze %dma_wait3A_201 : memref<1x128x2048xf32, #tpu.memory_space<vmem_shared>> -> memref<128x2048xf32, #tpu.memory_space<vmem_shared>>
    %dma_wait3A_203 = arith.constant 0 : i32
    %dma_wait3A_204 = tpu.memref_slice %arg1[%add3A_197, %dma_wait3A_203] : memref<8192x2048xf32, #tpu.memory_space<hbm>> -> memref<128x2048xf32, #tpu.memory_space<hbm>>
    tpu.wait_dma2 semaphore(%arg6 : memref<!tpu.dma_semaphore, #tpu.memory_space<semaphore_mem>>) src(%dma_wait3A_204 : memref<128x2048xf32, #tpu.memory_space<hbm>>) dst(%dma_wait3A_202 : memref<128x2048xf32, #tpu.memory_space<vmem_shared>>)
    %add3A_205 = arith.constant 768 : i32
    %add3A_206 = arith.addi %mul3A_0, %add3A_205 : i32
    %dma_start3A_207 = arith.constant 2 : i32
    %dma_start3A_208 = arith.constant 0 : i32
    %dma_start3A_209 = tpu.memref_slice %arg2[%add3A_206, %dma_start3A_208] : memref<8192x2048xf32, #tpu.memory_space<hbm>> -> memref<128x2048xf32, #tpu.memory_space<hbm>>
    %dma_start3A_210 = arith.constant 0 : i32
    %dma_start3A_211 = arith.constant 0 : i32
    %dma_start3A_212 = tpu.memref_slice %arg3[%dma_start3A_207, %dma_start3A_210, %dma_start3A_211] : memref<4x128x2048xf32, #tpu.memory_space<vmem_shared>> -> memref<1x128x2048xf32, #tpu.memory_space<vmem_shared>>
    %dma_start3A_213 = tpu.memref_squeeze %dma_start3A_212 : memref<1x128x2048xf32, #tpu.memory_space<vmem_shared>> -> memref<128x2048xf32, #tpu.memory_space<vmem_shared>>
    tpu.enqueue_dma source(%dma_start3A_213 : memref<128x2048xf32, #tpu.memory_space<vmem_shared>>) target(%dma_start3A_209 : memref<128x2048xf32, #tpu.memory_space<hbm>>) target_semaphore(%arg10 : memref<!tpu.dma_semaphore, #tpu.memory_space<semaphore_mem>>)
    %add3A_214 = arith.constant 384 : i32
    %add3A_215 = arith.addi %mul3A_0, %add3A_214 : i32
    %dma_wait3A_216 = arith.constant 3 : i32
    %dma_wait3A_217 = arith.constant 0 : i32
    %dma_wait3A_218 = tpu.memref_slice %arg2[%add3A_215, %dma_wait3A_217] : memref<8192x2048xf32, #tpu.memory_space<hbm>> -> memref<128x2048xf32, #tpu.memory_space<hbm>>
    %dma_wait3A_219 = arith.constant 0 : i32
    %dma_wait3A_220 = arith.constant 0 : i32
    %dma_wait3A_221 = tpu.memref_slice %arg3[%dma_wait3A_216, %dma_wait3A_219, %dma_wait3A_220] : memref<4x128x2048xf32, #tpu.memory_space<vmem_shared>> -> memref<1x128x2048xf32, #tpu.memory_space<vmem_shared>>
    %dma_wait3A_222 = tpu.memref_squeeze %dma_wait3A_221 : memref<1x128x2048xf32, #tpu.memory_space<vmem_shared>> -> memref<128x2048xf32, #tpu.memory_space<vmem_shared>>
    tpu.wait_dma2 semaphore(%arg11 : memref<!tpu.dma_semaphore, #tpu.memory_space<semaphore_mem>>) src(%dma_wait3A_222 : memref<128x2048xf32, #tpu.memory_space<vmem_shared>>) dst(%dma_wait3A_218 : memref<128x2048xf32, #tpu.memory_space<hbm>>)
    %add3A_223 = arith.constant 896 : i32
    %add3A_224 = arith.addi %mul3A_0, %add3A_223 : i32
    %dma_start3A_225 = arith.constant 3 : i32
    %dma_start3A_226 = arith.constant 0 : i32
    %dma_start3A_227 = arith.constant 0 : i32
    %dma_start3A_228 = tpu.memref_slice %arg3[%dma_start3A_225, %dma_start3A_226, %dma_start3A_227] : memref<4x128x2048xf32, #tpu.memory_space<vmem_shared>> -> memref<1x128x2048xf32, #tpu.memory_space<vmem_shared>>
    %dma_start3A_229 = tpu.memref_squeeze %dma_start3A_228 : memref<1x128x2048xf32, #tpu.memory_space<vmem_shared>> -> memref<128x2048xf32, #tpu.memory_space<vmem_shared>>
    %dma_start3A_230 = arith.constant 0 : i32
    %dma_start3A_231 = tpu.memref_slice %arg1[%add3A_224, %dma_start3A_230] : memref<8192x2048xf32, #tpu.memory_space<hbm>> -> memref<128x2048xf32, #tpu.memory_space<hbm>>
    tpu.enqueue_dma source(%dma_start3A_231 : memref<128x2048xf32, #tpu.memory_space<hbm>>) target(%dma_start3A_229 : memref<128x2048xf32, #tpu.memory_space<vmem_shared>>) target_semaphore(%arg7 : memref<!tpu.dma_semaphore, #tpu.memory_space<semaphore_mem>>)
    %add3A_232 = arith.constant 896 : i32
    %add3A_233 = arith.addi %mul3A_0, %add3A_232 : i32
    %dma_wait3A_234 = arith.constant 3 : i32
    %dma_wait3A_235 = arith.constant 0 : i32
    %dma_wait3A_236 = arith.constant 0 : i32
    %dma_wait3A_237 = tpu.memref_slice %arg3[%dma_wait3A_234, %dma_wait3A_235, %dma_wait3A_236] : memref<4x128x2048xf32, #tpu.memory_space<vmem_shared>> -> memref<1x128x2048xf32, #tpu.memory_space<vmem_shared>>
    %dma_wait3A_238 = tpu.memref_squeeze %dma_wait3A_237 : memref<1x128x2048xf32, #tpu.memory_space<vmem_shared>> -> memref<128x2048xf32, #tpu.memory_space<vmem_shared>>
    %dma_wait3A_239 = arith.constant 0 : i32
    %dma_wait3A_240 = tpu.memref_slice %arg1[%add3A_233, %dma_wait3A_239] : memref<8192x2048xf32, #tpu.memory_space<hbm>> -> memref<128x2048xf32, #tpu.memory_space<hbm>>
    tpu.wait_dma2 semaphore(%arg7 : memref<!tpu.dma_semaphore, #tpu.memory_space<semaphore_mem>>) src(%dma_wait3A_240 : memref<128x2048xf32, #tpu.memory_space<hbm>>) dst(%dma_wait3A_238 : memref<128x2048xf32, #tpu.memory_space<vmem_shared>>)
    %add3A_241 = arith.constant 896 : i32
    %add3A_242 = arith.addi %mul3A_0, %add3A_241 : i32
    %dma_start3A_243 = arith.constant 3 : i32
    %dma_start3A_244 = arith.constant 0 : i32
    %dma_start3A_245 = tpu.memref_slice %arg2[%add3A_242, %dma_start3A_244] : memref<8192x2048xf32, #tpu.memory_space<hbm>> -> memref<128x2048xf32, #tpu.memory_space<hbm>>
    %dma_start3A_246 = arith.constant 0 : i32
    %dma_start3A_247 = arith.constant 0 : i32
    %dma_start3A_248 = tpu.memref_slice %arg3[%dma_start3A_243, %dma_start3A_246, %dma_start3A_247] : memref<4x128x2048xf32, #tpu.memory_space<vmem_shared>> -> memref<1x128x2048xf32, #tpu.memory_space<vmem_shared>>
    %dma_start3A_249 = tpu.memref_squeeze %dma_start3A_248 : memref<1x128x2048xf32, #tpu.memory_space<vmem_shared>> -> memref<128x2048xf32, #tpu.memory_space<vmem_shared>>
    tpu.enqueue_dma source(%dma_start3A_249 : memref<128x2048xf32, #tpu.memory_space<vmem_shared>>) target(%dma_start3A_245 : memref<128x2048xf32, #tpu.memory_space<hbm>>) target_semaphore(%arg11 : memref<!tpu.dma_semaphore, #tpu.memory_space<semaphore_mem>>)
    %add3A_250 = arith.constant 512 : i32
    %add3A_251 = arith.addi %mul3A_0, %add3A_250 : i32
    %dma_wait3A_252 = arith.constant 0 : i32
    %dma_wait3A_253 = arith.constant 0 : i32
    %dma_wait3A_254 = tpu.memref_slice %arg2[%add3A_251, %dma_wait3A_253] : memref<8192x2048xf32, #tpu.memory_space<hbm>> -> memref<128x2048xf32, #tpu.memory_space<hbm>>
    %dma_wait3A_255 = arith.constant 0 : i32
    %dma_wait3A_256 = arith.constant 0 : i32
    %dma_wait3A_257 = tpu.memref_slice %arg3[%dma_wait3A_252, %dma_wait3A_255, %dma_wait3A_256] : memref<4x128x2048xf32, #tpu.memory_space<vmem_shared>> -> memref<1x128x2048xf32, #tpu.memory_space<vmem_shared>>
    %dma_wait3A_258 = tpu.memref_squeeze %dma_wait3A_257 : memref<1x128x2048xf32, #tpu.memory_space<vmem_shared>> -> memref<128x2048xf32, #tpu.memory_space<vmem_shared>>
    tpu.wait_dma2 semaphore(%arg8 : memref<!tpu.dma_semaphore, #tpu.memory_space<semaphore_mem>>) src(%dma_wait3A_258 : memref<128x2048xf32, #tpu.memory_space<vmem_shared>>) dst(%dma_wait3A_254 : memref<128x2048xf32, #tpu.memory_space<hbm>>)
    %add3A_259 = arith.constant 1024 : i32
    %add3A_260 = arith.addi %mul3A_0, %add3A_259 : i32
    %dma_start3A_261 = arith.constant 0 : i32
    %dma_start3A_262 = arith.constant 0 : i32
    %dma_start3A_263 = arith.constant 0 : i32
    %dma_start3A_264 = tpu.memref_slice %arg3[%dma_start3A_261, %dma_start3A_262, %dma_start3A_263] : memref<4x128x2048xf32, #tpu.memory_space<vmem_shared>> -> memref<1x128x2048xf32, #tpu.memory_space<vmem_shared>>
    %dma_start3A_265 = tpu.memref_squeeze %dma_start3A_264 : memref<1x128x2048xf32, #tpu.memory_space<vmem_shared>> -> memref<128x2048xf32, #tpu.memory_space<vmem_shared>>
    %dma_start3A_266 = arith.constant 0 : i32
    %dma_start3A_267 = tpu.memref_slice %arg1[%add3A_260, %dma_start3A_266] : memref<8192x2048xf32, #tpu.memory_space<hbm>> -> memref<128x2048xf32, #tpu.memory_space<hbm>>
    tpu.enqueue_dma source(%dma_start3A_267 : memref<128x2048xf32, #tpu.memory_space<hbm>>) target(%dma_start3A_265 : memref<128x2048xf32, #tpu.memory_space<vmem_shared>>) target_semaphore(%arg4 : memref<!tpu.dma_semaphore, #tpu.memory_space<semaphore_mem>>)
    %add3A_268 = arith.constant 1024 : i32
    %add3A_269 = arith.addi %mul3A_0, %add3A_268 : i32
    %dma_wait3A_270 = arith.constant 0 : i32
    %dma_wait3A_271 = arith.constant 0 : i32
    %dma_wait3A_272 = arith.constant 0 : i32
    %dma_wait3A_273 = tpu.memref_slice %arg3[%dma_wait3A_270, %dma_wait3A_271, %dma_wait3A_272] : memref<4x128x2048xf32, #tpu.memory_space<vmem_shared>> -> memref<1x128x2048xf32, #tpu.memory_space<vmem_shared>>
    %dma_wait3A_274 = tpu.memref_squeeze %dma_wait3A_273 : memref<1x128x2048xf32, #tpu.memory_space<vmem_shared>> -> memref<128x2048xf32, #tpu.memory_space<vmem_shared>>
    %dma_wait3A_275 = arith.constant 0 : i32
    %dma_wait3A_276 = tpu.memref_slice %arg1[%add3A_269, %dma_wait3A_275] : memref<8192x2048xf32, #tpu.memory_space<hbm>> -> memref<128x2048xf32, #tpu.memory_space<hbm>>
    tpu.wait_dma2 semaphore(%arg4 : memref<!tpu.dma_semaphore, #tpu.memory_space<semaphore_mem>>) src(%dma_wait3A_276 : memref<128x2048xf32, #tpu.memory_space<hbm>>) dst(%dma_wait3A_274 : memref<128x2048xf32, #tpu.memory_space<vmem_shared>>)
    %add3A_277 = arith.constant 1024 : i32
    %add3A_278 = arith.addi %mul3A_0, %add3A_277 : i32
    %dma_start3A_279 = arith.constant 0 : i32
    %dma_start3A_280 = arith.constant 0 : i32
    %dma_start3A_281 = tpu.memref_slice %arg2[%add3A_278, %dma_start3A_280] : memref<8192x2048xf32, #tpu.memory_space<hbm>> -> memref<128x2048xf32, #tpu.memory_space<hbm>>
    %dma_start3A_282 = arith.constant 0 : i32
    %dma_start3A_283 = arith.constant 0 : i32
    %dma_start3A_284 = tpu.memref_slice %arg3[%dma_start3A_279, %dma_start3A_282, %dma_start3A_283] : memref<4x128x2048xf32, #tpu.memory_space<vmem_shared>> -> memref<1x128x2048xf32, #tpu.memory_space<vmem_shared>>
    %dma_start3A_285 = tpu.memref_squeeze %dma_start3A_284 : memref<1x128x2048xf32, #tpu.memory_space<vmem_shared>> -> memref<128x2048xf32, #tpu.memory_space<vmem_shared>>
    tpu.enqueue_dma source(%dma_start3A_285 : memref<128x2048xf32, #tpu.memory_space<vmem_shared>>) target(%dma_start3A_281 : memref<128x2048xf32, #tpu.memory_space<hbm>>) target_semaphore(%arg8 : memref<!tpu.dma_semaphore, #tpu.memory_space<semaphore_mem>>)
    %add3A_286 = arith.constant 640 : i32
    %add3A_287 = arith.addi %mul3A_0, %add3A_286 : i32
    %dma_wait3A_288 = arith.constant 1 : i32
    %dma_wait3A_289 = arith.constant 0 : i32
    %dma_wait3A_290 = tpu.memref_slice %arg2[%add3A_287, %dma_wait3A_289] : memref<8192x2048xf32, #tpu.memory_space<hbm>> -> memref<128x2048xf32, #tpu.memory_space<hbm>>
    %dma_wait3A_291 = arith.constant 0 : i32
    %dma_wait3A_292 = arith.constant 0 : i32
    %dma_wait3A_293 = tpu.memref_slice %arg3[%dma_wait3A_288, %dma_wait3A_291, %dma_wait3A_292] : memref<4x128x2048xf32, #tpu.memory_space<vmem_shared>> -> memref<1x128x2048xf32, #tpu.memory_space<vmem_shared>>
    %dma_wait3A_294 = tpu.memref_squeeze %dma_wait3A_293 : memref<1x128x2048xf32, #tpu.memory_space<vmem_shared>> -> memref<128x2048xf32, #tpu.memory_space<vmem_shared>>
    tpu.wait_dma2 semaphore(%arg9 : memref<!tpu.dma_semaphore, #tpu.memory_space<semaphore_mem>>) src(%dma_wait3A_294 : memref<128x2048xf32, #tpu.memory_space<vmem_shared>>) dst(%dma_wait3A_290 : memref<128x2048xf32, #tpu.memory_space<hbm>>)
    %add3A_295 = arith.constant 1152 : i32
    %add3A_296 = arith.addi %mul3A_0, %add3A_295 : i32
    %dma_start3A_297 = arith.constant 1 : i32
    %dma_start3A_298 = arith.constant 0 : i32
    %dma_start3A_299 = arith.constant 0 : i32
    %dma_start3A_300 = tpu.memref_slice %arg3[%dma_start3A_297, %dma_start3A_298, %dma_start3A_299] : memref<4x128x2048xf32, #tpu.memory_space<vmem_shared>> -> memref<1x128x2048xf32, #tpu.memory_space<vmem_shared>>
    %dma_start3A_301 = tpu.memref_squeeze %dma_start3A_300 : memref<1x128x2048xf32, #tpu.memory_space<vmem_shared>> -> memref<128x2048xf32, #tpu.memory_space<vmem_shared>>
    %dma_start3A_302 = arith.constant 0 : i32
    %dma_start3A_303 = tpu.memref_slice %arg1[%add3A_296, %dma_start3A_302] : memref<8192x2048xf32, #tpu.memory_space<hbm>> -> memref<128x2048xf32, #tpu.memory_space<hbm>>
    tpu.enqueue_dma source(%dma_start3A_303 : memref<128x2048xf32, #tpu.memory_space<hbm>>) target(%dma_start3A_301 : memref<128x2048xf32, #tpu.memory_space<vmem_shared>>) target_semaphore(%arg5 : memref<!tpu.dma_semaphore, #tpu.memory_space<semaphore_mem>>)
    %add3A_304 = arith.constant 1152 : i32
    %add3A_305 = arith.addi %mul3A_0, %add3A_304 : i32
    %dma_wait3A_306 = arith.constant 1 : i32
    %dma_wait3A_307 = arith.constant 0 : i32
    %dma_wait3A_308 = arith.constant 0 : i32
    %dma_wait3A_309 = tpu.memref_slice %arg3[%dma_wait3A_306, %dma_wait3A_307, %dma_wait3A_308] : memref<4x128x2048xf32, #tpu.memory_space<vmem_shared>> -> memref<1x128x2048xf32, #tpu.memory_space<vmem_shared>>
    %dma_wait3A_310 = tpu.memref_squeeze %dma_wait3A_309 : memref<1x128x2048xf32, #tpu.memory_space<vmem_shared>> -> memref<128x2048xf32, #tpu.memory_space<vmem_shared>>
    %dma_wait3A_311 = arith.constant 0 : i32
    %dma_wait3A_312 = tpu.memref_slice %arg1[%add3A_305, %dma_wait3A_311] : memref<8192x2048xf32, #tpu.memory_space<hbm>> -> memref<128x2048xf32, #tpu.memory_space<hbm>>
    tpu.wait_dma2 semaphore(%arg5 : memref<!tpu.dma_semaphore, #tpu.memory_space<semaphore_mem>>) src(%dma_wait3A_312 : memref<128x2048xf32, #tpu.memory_space<hbm>>) dst(%dma_wait3A_310 : memref<128x2048xf32, #tpu.memory_space<vmem_shared>>)
    %add3A_313 = arith.constant 1152 : i32
    %add3A_314 = arith.addi %mul3A_0, %add3A_313 : i32
    %dma_start3A_315 = arith.constant 1 : i32
    %dma_start3A_316 = arith.constant 0 : i32
    %dma_start3A_317 = tpu.memref_slice %arg2[%add3A_314, %dma_start3A_316] : memref<8192x2048xf32, #tpu.memory_space<hbm>> -> memref<128x2048xf32, #tpu.memory_space<hbm>>
    %dma_start3A_318 = arith.constant 0 : i32
    %dma_start3A_319 = arith.constant 0 : i32
    %dma_start3A_320 = tpu.memref_slice %arg3[%dma_start3A_315, %dma_start3A_318, %dma_start3A_319] : memref<4x128x2048xf32, #tpu.memory_space<vmem_shared>> -> memref<1x128x2048xf32, #tpu.memory_space<vmem_shared>>
    %dma_start3A_321 = tpu.memref_squeeze %dma_start3A_320 : memref<1x128x2048xf32, #tpu.memory_space<vmem_shared>> -> memref<128x2048xf32, #tpu.memory_space<vmem_shared>>
    tpu.enqueue_dma source(%dma_start3A_321 : memref<128x2048xf32, #tpu.memory_space<vmem_shared>>) target(%dma_start3A_317 : memref<128x2048xf32, #tpu.memory_space<hbm>>) target_semaphore(%arg9 : memref<!tpu.dma_semaphore, #tpu.memory_space<semaphore_mem>>)
    %add3A_322 = arith.constant 768 : i32
    %add3A_323 = arith.addi %mul3A_0, %add3A_322 : i32
    %dma_wait3A_324 = arith.constant 2 : i32
    %dma_wait3A_325 = arith.constant 0 : i32
    %dma_wait3A_326 = tpu.memref_slice %arg2[%add3A_323, %dma_wait3A_325] : memref<8192x2048xf32, #tpu.memory_space<hbm>> -> memref<128x2048xf32, #tpu.memory_space<hbm>>
    %dma_wait3A_327 = arith.constant 0 : i32
    %dma_wait3A_328 = arith.constant 0 : i32
    %dma_wait3A_329 = tpu.memref_slice %arg3[%dma_wait3A_324, %dma_wait3A_327, %dma_wait3A_328] : memref<4x128x2048xf32, #tpu.memory_space<vmem_shared>> -> memref<1x128x2048xf32, #tpu.memory_space<vmem_shared>>
    %dma_wait3A_330 = tpu.memref_squeeze %dma_wait3A_329 : memref<1x128x2048xf32, #tpu.memory_space<vmem_shared>> -> memref<128x2048xf32, #tpu.memory_space<vmem_shared>>
    tpu.wait_dma2 semaphore(%arg10 : memref<!tpu.dma_semaphore, #tpu.memory_space<semaphore_mem>>) src(%dma_wait3A_330 : memref<128x2048xf32, #tpu.memory_space<vmem_shared>>) dst(%dma_wait3A_326 : memref<128x2048xf32, #tpu.memory_space<hbm>>)
    %add3A_331 = arith.constant 1280 : i32
    %add3A_332 = arith.addi %mul3A_0, %add3A_331 : i32
    %dma_start3A_333 = arith.constant 2 : i32
    %dma_start3A_334 = arith.constant 0 : i32
    %dma_start3A_335 = arith.constant 0 : i32
    %dma_start3A_336 = tpu.memref_slice %arg3[%dma_start3A_333, %dma_start3A_334, %dma_start3A_335] : memref<4x128x2048xf32, #tpu.memory_space<vmem_shared>> -> memref<1x128x2048xf32, #tpu.memory_space<vmem_shared>>
    %dma_start3A_337 = tpu.memref_squeeze %dma_start3A_336 : memref<1x128x2048xf32, #tpu.memory_space<vmem_shared>> -> memref<128x2048xf32, #tpu.memory_space<vmem_shared>>
    %dma_start3A_338 = arith.constant 0 : i32
    %dma_start3A_339 = tpu.memref_slice %arg1[%add3A_332, %dma_start3A_338] : memref<8192x2048xf32, #tpu.memory_space<hbm>> -> memref<128x2048xf32, #tpu.memory_space<hbm>>
    tpu.enqueue_dma source(%dma_start3A_339 : memref<128x2048xf32, #tpu.memory_space<hbm>>) target(%dma_start3A_337 : memref<128x2048xf32, #tpu.memory_space<vmem_shared>>) target_semaphore(%arg6 : memref<!tpu.dma_semaphore, #tpu.memory_space<semaphore_mem>>)
    %add3A_340 = arith.constant 1280 : i32
    %add3A_341 = arith.addi %mul3A_0, %add3A_340 : i32
    %dma_wait3A_342 = arith.constant 2 : i32
    %dma_wait3A_343 = arith.constant 0 : i32
    %dma_wait3A_344 = arith.constant 0 : i32
    %dma_wait3A_345 = tpu.memref_slice %arg3[%dma_wait3A_342, %dma_wait3A_343, %dma_wait3A_344] : memref<4x128x2048xf32, #tpu.memory_space<vmem_shared>> -> memref<1x128x2048xf32, #tpu.memory_space<vmem_shared>>
    %dma_wait3A_346 = tpu.memref_squeeze %dma_wait3A_345 : memref<1x128x2048xf32, #tpu.memory_space<vmem_shared>> -> memref<128x2048xf32, #tpu.memory_space<vmem_shared>>
    %dma_wait3A_347 = arith.constant 0 : i32
    %dma_wait3A_348 = tpu.memref_slice %arg1[%add3A_341, %dma_wait3A_347] : memref<8192x2048xf32, #tpu.memory_space<hbm>> -> memref<128x2048xf32, #tpu.memory_space<hbm>>
    tpu.wait_dma2 semaphore(%arg6 : memref<!tpu.dma_semaphore, #tpu.memory_space<semaphore_mem>>) src(%dma_wait3A_348 : memref<128x2048xf32, #tpu.memory_space<hbm>>) dst(%dma_wait3A_346 : memref<128x2048xf32, #tpu.memory_space<vmem_shared>>)
    %add3A_349 = arith.constant 1280 : i32
    %add3A_350 = arith.addi %mul3A_0, %add3A_349 : i32
    %dma_start3A_351 = arith.constant 2 : i32
    %dma_start3A_352 = arith.constant 0 : i32
    %dma_start3A_353 = tpu.memref_slice %arg2[%add3A_350, %dma_start3A_352] : memref<8192x2048xf32, #tpu.memory_space<hbm>> -> memref<128x2048xf32, #tpu.memory_space<hbm>>
    %dma_start3A_354 = arith.constant 0 : i32
    %dma_start3A_355 = arith.constant 0 : i32
    %dma_start3A_356 = tpu.memref_slice %arg3[%dma_start3A_351, %dma_start3A_354, %dma_start3A_355] : memref<4x128x2048xf32, #tpu.memory_space<vmem_shared>> -> memref<1x128x2048xf32, #tpu.memory_space<vmem_shared>>
    %dma_start3A_357 = tpu.memref_squeeze %dma_start3A_356 : memref<1x128x2048xf32, #tpu.memory_space<vmem_shared>> -> memref<128x2048xf32, #tpu.memory_space<vmem_shared>>
    tpu.enqueue_dma source(%dma_start3A_357 : memref<128x2048xf32, #tpu.memory_space<vmem_shared>>) target(%dma_start3A_353 : memref<128x2048xf32, #tpu.memory_space<hbm>>) target_semaphore(%arg10 : memref<!tpu.dma_semaphore, #tpu.memory_space<semaphore_mem>>)
    %add3A_358 = arith.constant 896 : i32
    %add3A_359 = arith.addi %mul3A_0, %add3A_358 : i32
    %dma_wait3A_360 = arith.constant 3 : i32
    %dma_wait3A_361 = arith.constant 0 : i32
    %dma_wait3A_362 = tpu.memref_slice %arg2[%add3A_359, %dma_wait3A_361] : memref<8192x2048xf32, #tpu.memory_space<hbm>> -> memref<128x2048xf32, #tpu.memory_space<hbm>>
    %dma_wait3A_363 = arith.constant 0 : i32
    %dma_wait3A_364 = arith.constant 0 : i32
    %dma_wait3A_365 = tpu.memref_slice %arg3[%dma_wait3A_360, %dma_wait3A_363, %dma_wait3A_364] : memref<4x128x2048xf32, #tpu.memory_space<vmem_shared>> -> memref<1x128x2048xf32, #tpu.memory_space<vmem_shared>>
    %dma_wait3A_366 = tpu.memref_squeeze %dma_wait3A_365 : memref<1x128x2048xf32, #tpu.memory_space<vmem_shared>> -> memref<128x2048xf32, #tpu.memory_space<vmem_shared>>
    tpu.wait_dma2 semaphore(%arg11 : memref<!tpu.dma_semaphore, #tpu.memory_space<semaphore_mem>>) src(%dma_wait3A_366 : memref<128x2048xf32, #tpu.memory_space<vmem_shared>>) dst(%dma_wait3A_362 : memref<128x2048xf32, #tpu.memory_space<hbm>>)
    %add3A_367 = arith.constant 1408 : i32
    %add3A_368 = arith.addi %mul3A_0, %add3A_367 : i32
    %dma_start3A_369 = arith.constant 3 : i32
    %dma_start3A_370 = arith.constant 0 : i32
    %dma_start3A_371 = arith.constant 0 : i32
    %dma_start3A_372 = tpu.memref_slice %arg3[%dma_start3A_369, %dma_start3A_370, %dma_start3A_371] : memref<4x128x2048xf32, #tpu.memory_space<vmem_shared>> -> memref<1x128x2048xf32, #tpu.memory_space<vmem_shared>>
    %dma_start3A_373 = tpu.memref_squeeze %dma_start3A_372 : memref<1x128x2048xf32, #tpu.memory_space<vmem_shared>> -> memref<128x2048xf32, #tpu.memory_space<vmem_shared>>
    %dma_start3A_374 = arith.constant 0 : i32
    %dma_start3A_375 = tpu.memref_slice %arg1[%add3A_368, %dma_start3A_374] : memref<8192x2048xf32, #tpu.memory_space<hbm>> -> memref<128x2048xf32, #tpu.memory_space<hbm>>
    tpu.enqueue_dma source(%dma_start3A_375 : memref<128x2048xf32, #tpu.memory_space<hbm>>) target(%dma_start3A_373 : memref<128x2048xf32, #tpu.memory_space<vmem_shared>>) target_semaphore(%arg7 : memref<!tpu.dma_semaphore, #tpu.memory_space<semaphore_mem>>)
    %add3A_376 = arith.constant 1408 : i32
    %add3A_377 = arith.addi %mul3A_0, %add3A_376 : i32
    %dma_wait3A_378 = arith.constant 3 : i32
    %dma_wait3A_379 = arith.constant 0 : i32
    %dma_wait3A_380 = arith.constant 0 : i32
    %dma_wait3A_381 = tpu.memref_slice %arg3[%dma_wait3A_378, %dma_wait3A_379, %dma_wait3A_380] : memref<4x128x2048xf32, #tpu.memory_space<vmem_shared>> -> memref<1x128x2048xf32, #tpu.memory_space<vmem_shared>>
    %dma_wait3A_382 = tpu.memref_squeeze %dma_wait3A_381 : memref<1x128x2048xf32, #tpu.memory_space<vmem_shared>> -> memref<128x2048xf32, #tpu.memory_space<vmem_shared>>
    %dma_wait3A_383 = arith.constant 0 : i32
    %dma_wait3A_384 = tpu.memref_slice %arg1[%add3A_377, %dma_wait3A_383] : memref<8192x2048xf32, #tpu.memory_space<hbm>> -> memref<128x2048xf32, #tpu.memory_space<hbm>>
    tpu.wait_dma2 semaphore(%arg7 : memref<!tpu.dma_semaphore, #tpu.memory_space<semaphore_mem>>) src(%dma_wait3A_384 : memref<128x2048xf32, #tpu.memory_space<hbm>>) dst(%dma_wait3A_382 : memref<128x2048xf32, #tpu.memory_space<vmem_shared>>)
    %add3A_385 = arith.constant 1408 : i32
    %add3A_386 = arith.addi %mul3A_0, %add3A_385 : i32
    %dma_start3A_387 = arith.constant 3 : i32
    %dma_start3A_388 = arith.constant 0 : i32
    %dma_start3A_389 = tpu.memref_slice %arg2[%add3A_386, %dma_start3A_388] : memref<8192x2048xf32, #tpu.memory_space<hbm>> -> memref<128x2048xf32, #tpu.memory_space<hbm>>
    %dma_start3A_390 = arith.constant 0 : i32
    %dma_start3A_391 = arith.constant 0 : i32
    %dma_start3A_392 = tpu.memref_slice %arg3[%dma_start3A_387, %dma_start3A_390, %dma_start3A_391] : memref<4x128x2048xf32, #tpu.memory_space<vmem_shared>> -> memref<1x128x2048xf32, #tpu.memory_space<vmem_shared>>
    %dma_start3A_393 = tpu.memref_squeeze %dma_start3A_392 : memref<1x128x2048xf32, #tpu.memory_space<vmem_shared>> -> memref<128x2048xf32, #tpu.memory_space<vmem_shared>>
    tpu.enqueue_dma source(%dma_start3A_393 : memref<128x2048xf32, #tpu.memory_space<vmem_shared>>) target(%dma_start3A_389 : memref<128x2048xf32, #tpu.memory_space<hbm>>) target_semaphore(%arg11 : memref<!tpu.dma_semaphore, #tpu.memory_space<semaphore_mem>>)
    %add3A_394 = arith.constant 1024 : i32
    %add3A_395 = arith.addi %mul3A_0, %add3A_394 : i32
    %dma_wait3A_396 = arith.constant 0 : i32
    %dma_wait3A_397 = arith.constant 0 : i32
    %dma_wait3A_398 = tpu.memref_slice %arg2[%add3A_395, %dma_wait3A_397] : memref<8192x2048xf32, #tpu.memory_space<hbm>> -> memref<128x2048xf32, #tpu.memory_space<hbm>>
    %dma_wait3A_399 = arith.constant 0 : i32
    %dma_wait3A_400 = arith.constant 0 : i32
    %dma_wait3A_401 = tpu.memref_slice %arg3[%dma_wait3A_396, %dma_wait3A_399, %dma_wait3A_400] : memref<4x128x2048xf32, #tpu.memory_space<vmem_shared>> -> memref<1x128x2048xf32, #tpu.memory_space<vmem_shared>>
    %dma_wait3A_402 = tpu.memref_squeeze %dma_wait3A_401 : memref<1x128x2048xf32, #tpu.memory_space<vmem_shared>> -> memref<128x2048xf32, #tpu.memory_space<vmem_shared>>
    tpu.wait_dma2 semaphore(%arg8 : memref<!tpu.dma_semaphore, #tpu.memory_space<semaphore_mem>>) src(%dma_wait3A_402 : memref<128x2048xf32, #tpu.memory_space<vmem_shared>>) dst(%dma_wait3A_398 : memref<128x2048xf32, #tpu.memory_space<hbm>>)
    %add3A_403 = arith.constant 1536 : i32
    %add3A_404 = arith.addi %mul3A_0, %add3A_403 : i32
    %dma_start3A_405 = arith.constant 0 : i32
    %dma_start3A_406 = arith.constant 0 : i32
    %dma_start3A_407 = arith.constant 0 : i32
    %dma_start3A_408 = tpu.memref_slice %arg3[%dma_start3A_405, %dma_start3A_406, %dma_start3A_407] : memref<4x128x2048xf32, #tpu.memory_space<vmem_shared>> -> memref<1x128x2048xf32, #tpu.memory_space<vmem_shared>>
    %dma_start3A_409 = tpu.memref_squeeze %dma_start3A_408 : memref<1x128x2048xf32, #tpu.memory_space<vmem_shared>> -> memref<128x2048xf32, #tpu.memory_space<vmem_shared>>
    %dma_start3A_410 = arith.constant 0 : i32
    %dma_start3A_411 = tpu.memref_slice %arg1[%add3A_404, %dma_start3A_410] : memref<8192x2048xf32, #tpu.memory_space<hbm>> -> memref<128x2048xf32, #tpu.memory_space<hbm>>
    tpu.enqueue_dma source(%dma_start3A_411 : memref<128x2048xf32, #tpu.memory_space<hbm>>) target(%dma_start3A_409 : memref<128x2048xf32, #tpu.memory_space<vmem_shared>>) target_semaphore(%arg4 : memref<!tpu.dma_semaphore, #tpu.memory_space<semaphore_mem>>)
    %add3A_412 = arith.constant 1536 : i32
    %add3A_413 = arith.addi %mul3A_0, %add3A_412 : i32
    %dma_wait3A_414 = arith.constant 0 : i32
    %dma_wait3A_415 = arith.constant 0 : i32
    %dma_wait3A_416 = arith.constant 0 : i32
    %dma_wait3A_417 = tpu.memref_slice %arg3[%dma_wait3A_414, %dma_wait3A_415, %dma_wait3A_416] : memref<4x128x2048xf32, #tpu.memory_space<vmem_shared>> -> memref<1x128x2048xf32, #tpu.memory_space<vmem_shared>>
    %dma_wait3A_418 = tpu.memref_squeeze %dma_wait3A_417 : memref<1x128x2048xf32, #tpu.memory_space<vmem_shared>> -> memref<128x2048xf32, #tpu.memory_space<vmem_shared>>
    %dma_wait3A_419 = arith.constant 0 : i32
    %dma_wait3A_420 = tpu.memref_slice %arg1[%add3A_413, %dma_wait3A_419] : memref<8192x2048xf32, #tpu.memory_space<hbm>> -> memref<128x2048xf32, #tpu.memory_space<hbm>>
    tpu.wait_dma2 semaphore(%arg4 : memref<!tpu.dma_semaphore, #tpu.memory_space<semaphore_mem>>) src(%dma_wait3A_420 : memref<128x2048xf32, #tpu.memory_space<hbm>>) dst(%dma_wait3A_418 : memref<128x2048xf32, #tpu.memory_space<vmem_shared>>)
    %add3A_421 = arith.constant 1536 : i32
    %add3A_422 = arith.addi %mul3A_0, %add3A_421 : i32
    %dma_start3A_423 = arith.constant 0 : i32
    %dma_start3A_424 = arith.constant 0 : i32
    %dma_start3A_425 = tpu.memref_slice %arg2[%add3A_422, %dma_start3A_424] : memref<8192x2048xf32, #tpu.memory_space<hbm>> -> memref<128x2048xf32, #tpu.memory_space<hbm>>
    %dma_start3A_426 = arith.constant 0 : i32
    %dma_start3A_427 = arith.constant 0 : i32
    %dma_start3A_428 = tpu.memref_slice %arg3[%dma_start3A_423, %dma_start3A_426, %dma_start3A_427] : memref<4x128x2048xf32, #tpu.memory_space<vmem_shared>> -> memref<1x128x2048xf32, #tpu.memory_space<vmem_shared>>
    %dma_start3A_429 = tpu.memref_squeeze %dma_start3A_428 : memref<1x128x2048xf32, #tpu.memory_space<vmem_shared>> -> memref<128x2048xf32, #tpu.memory_space<vmem_shared>>
    tpu.enqueue_dma source(%dma_start3A_429 : memref<128x2048xf32, #tpu.memory_space<vmem_shared>>) target(%dma_start3A_425 : memref<128x2048xf32, #tpu.memory_space<hbm>>) target_semaphore(%arg8 : memref<!tpu.dma_semaphore, #tpu.memory_space<semaphore_mem>>)
    %add3A_430 = arith.constant 1152 : i32
    %add3A_431 = arith.addi %mul3A_0, %add3A_430 : i32
    %dma_wait3A_432 = arith.constant 1 : i32
    %dma_wait3A_433 = arith.constant 0 : i32
    %dma_wait3A_434 = tpu.memref_slice %arg2[%add3A_431, %dma_wait3A_433] : memref<8192x2048xf32, #tpu.memory_space<hbm>> -> memref<128x2048xf32, #tpu.memory_space<hbm>>
    %dma_wait3A_435 = arith.constant 0 : i32
    %dma_wait3A_436 = arith.constant 0 : i32
    %dma_wait3A_437 = tpu.memref_slice %arg3[%dma_wait3A_432, %dma_wait3A_435, %dma_wait3A_436] : memref<4x128x2048xf32, #tpu.memory_space<vmem_shared>> -> memref<1x128x2048xf32, #tpu.memory_space<vmem_shared>>
    %dma_wait3A_438 = tpu.memref_squeeze %dma_wait3A_437 : memref<1x128x2048xf32, #tpu.memory_space<vmem_shared>> -> memref<128x2048xf32, #tpu.memory_space<vmem_shared>>
    tpu.wait_dma2 semaphore(%arg9 : memref<!tpu.dma_semaphore, #tpu.memory_space<semaphore_mem>>) src(%dma_wait3A_438 : memref<128x2048xf32, #tpu.memory_space<vmem_shared>>) dst(%dma_wait3A_434 : memref<128x2048xf32, #tpu.memory_space<hbm>>)
    %add3A_439 = arith.constant 1664 : i32
    %add3A_440 = arith.addi %mul3A_0, %add3A_439 : i32
    %dma_start3A_441 = arith.constant 1 : i32
    %dma_start3A_442 = arith.constant 0 : i32
    %dma_start3A_443 = arith.constant 0 : i32
    %dma_start3A_444 = tpu.memref_slice %arg3[%dma_start3A_441, %dma_start3A_442, %dma_start3A_443] : memref<4x128x2048xf32, #tpu.memory_space<vmem_shared>> -> memref<1x128x2048xf32, #tpu.memory_space<vmem_shared>>
    %dma_start3A_445 = tpu.memref_squeeze %dma_start3A_444 : memref<1x128x2048xf32, #tpu.memory_space<vmem_shared>> -> memref<128x2048xf32, #tpu.memory_space<vmem_shared>>
    %dma_start3A_446 = arith.constant 0 : i32
    %dma_start3A_447 = tpu.memref_slice %arg1[%add3A_440, %dma_start3A_446] : memref<8192x2048xf32, #tpu.memory_space<hbm>> -> memref<128x2048xf32, #tpu.memory_space<hbm>>
    tpu.enqueue_dma source(%dma_start3A_447 : memref<128x2048xf32, #tpu.memory_space<hbm>>) target(%dma_start3A_445 : memref<128x2048xf32, #tpu.memory_space<vmem_shared>>) target_semaphore(%arg5 : memref<!tpu.dma_semaphore, #tpu.memory_space<semaphore_mem>>)
    %add3A_448 = arith.constant 1664 : i32
    %add3A_449 = arith.addi %mul3A_0, %add3A_448 : i32
    %dma_wait3A_450 = arith.constant 1 : i32
    %dma_wait3A_451 = arith.constant 0 : i32
    %dma_wait3A_452 = arith.constant 0 : i32
    %dma_wait3A_453 = tpu.memref_slice %arg3[%dma_wait3A_450, %dma_wait3A_451, %dma_wait3A_452] : memref<4x128x2048xf32, #tpu.memory_space<vmem_shared>> -> memref<1x128x2048xf32, #tpu.memory_space<vmem_shared>>
    %dma_wait3A_454 = tpu.memref_squeeze %dma_wait3A_453 : memref<1x128x2048xf32, #tpu.memory_space<vmem_shared>> -> memref<128x2048xf32, #tpu.memory_space<vmem_shared>>
    %dma_wait3A_455 = arith.constant 0 : i32
    %dma_wait3A_456 = tpu.memref_slice %arg1[%add3A_449, %dma_wait3A_455] : memref<8192x2048xf32, #tpu.memory_space<hbm>> -> memref<128x2048xf32, #tpu.memory_space<hbm>>
    tpu.wait_dma2 semaphore(%arg5 : memref<!tpu.dma_semaphore, #tpu.memory_space<semaphore_mem>>) src(%dma_wait3A_456 : memref<128x2048xf32, #tpu.memory_space<hbm>>) dst(%dma_wait3A_454 : memref<128x2048xf32, #tpu.memory_space<vmem_shared>>)
    %add3A_457 = arith.constant 1664 : i32
    %add3A_458 = arith.addi %mul3A_0, %add3A_457 : i32
    %dma_start3A_459 = arith.constant 1 : i32
    %dma_start3A_460 = arith.constant 0 : i32
    %dma_start3A_461 = tpu.memref_slice %arg2[%add3A_458, %dma_start3A_460] : memref<8192x2048xf32, #tpu.memory_space<hbm>> -> memref<128x2048xf32, #tpu.memory_space<hbm>>
    %dma_start3A_462 = arith.constant 0 : i32
    %dma_start3A_463 = arith.constant 0 : i32
    %dma_start3A_464 = tpu.memref_slice %arg3[%dma_start3A_459, %dma_start3A_462, %dma_start3A_463] : memref<4x128x2048xf32, #tpu.memory_space<vmem_shared>> -> memref<1x128x2048xf32, #tpu.memory_space<vmem_shared>>
    %dma_start3A_465 = tpu.memref_squeeze %dma_start3A_464 : memref<1x128x2048xf32, #tpu.memory_space<vmem_shared>> -> memref<128x2048xf32, #tpu.memory_space<vmem_shared>>
    tpu.enqueue_dma source(%dma_start3A_465 : memref<128x2048xf32, #tpu.memory_space<vmem_shared>>) target(%dma_start3A_461 : memref<128x2048xf32, #tpu.memory_space<hbm>>) target_semaphore(%arg9 : memref<!tpu.dma_semaphore, #tpu.memory_space<semaphore_mem>>)
    %add3A_466 = arith.constant 1280 : i32
    %add3A_467 = arith.addi %mul3A_0, %add3A_466 : i32
    %dma_wait3A_468 = arith.constant 2 : i32
    %dma_wait3A_469 = arith.constant 0 : i32
    %dma_wait3A_470 = tpu.memref_slice %arg2[%add3A_467, %dma_wait3A_469] : memref<8192x2048xf32, #tpu.memory_space<hbm>> -> memref<128x2048xf32, #tpu.memory_space<hbm>>
    %dma_wait3A_471 = arith.constant 0 : i32
    %dma_wait3A_472 = arith.constant 0 : i32
    %dma_wait3A_473 = tpu.memref_slice %arg3[%dma_wait3A_468, %dma_wait3A_471, %dma_wait3A_472] : memref<4x128x2048xf32, #tpu.memory_space<vmem_shared>> -> memref<1x128x2048xf32, #tpu.memory_space<vmem_shared>>
    %dma_wait3A_474 = tpu.memref_squeeze %dma_wait3A_473 : memref<1x128x2048xf32, #tpu.memory_space<vmem_shared>> -> memref<128x2048xf32, #tpu.memory_space<vmem_shared>>
    tpu.wait_dma2 semaphore(%arg10 : memref<!tpu.dma_semaphore, #tpu.memory_space<semaphore_mem>>) src(%dma_wait3A_474 : memref<128x2048xf32, #tpu.memory_space<vmem_shared>>) dst(%dma_wait3A_470 : memref<128x2048xf32, #tpu.memory_space<hbm>>)
    %add3A_475 = arith.constant 1792 : i32
    %add3A_476 = arith.addi %mul3A_0, %add3A_475 : i32
    %dma_start3A_477 = arith.constant 2 : i32
    %dma_start3A_478 = arith.constant 0 : i32
    %dma_start3A_479 = arith.constant 0 : i32
    %dma_start3A_480 = tpu.memref_slice %arg3[%dma_start3A_477, %dma_start3A_478, %dma_start3A_479] : memref<4x128x2048xf32, #tpu.memory_space<vmem_shared>> -> memref<1x128x2048xf32, #tpu.memory_space<vmem_shared>>
    %dma_start3A_481 = tpu.memref_squeeze %dma_start3A_480 : memref<1x128x2048xf32, #tpu.memory_space<vmem_shared>> -> memref<128x2048xf32, #tpu.memory_space<vmem_shared>>
    %dma_start3A_482 = arith.constant 0 : i32
    %dma_start3A_483 = tpu.memref_slice %arg1[%add3A_476, %dma_start3A_482] : memref<8192x2048xf32, #tpu.memory_space<hbm>> -> memref<128x2048xf32, #tpu.memory_space<hbm>>
    tpu.enqueue_dma source(%dma_start3A_483 : memref<128x2048xf32, #tpu.memory_space<hbm>>) target(%dma_start3A_481 : memref<128x2048xf32, #tpu.memory_space<vmem_shared>>) target_semaphore(%arg6 : memref<!tpu.dma_semaphore, #tpu.memory_space<semaphore_mem>>)
    %add3A_484 = arith.constant 1792 : i32
    %add3A_485 = arith.addi %mul3A_0, %add3A_484 : i32
    %dma_wait3A_486 = arith.constant 2 : i32
    %dma_wait3A_487 = arith.constant 0 : i32
    %dma_wait3A_488 = arith.constant 0 : i32
    %dma_wait3A_489 = tpu.memref_slice %arg3[%dma_wait3A_486, %dma_wait3A_487, %dma_wait3A_488] : memref<4x128x2048xf32, #tpu.memory_space<vmem_shared>> -> memref<1x128x2048xf32, #tpu.memory_space<vmem_shared>>
    %dma_wait3A_490 = tpu.memref_squeeze %dma_wait3A_489 : memref<1x128x2048xf32, #tpu.memory_space<vmem_shared>> -> memref<128x2048xf32, #tpu.memory_space<vmem_shared>>
    %dma_wait3A_491 = arith.constant 0 : i32
    %dma_wait3A_492 = tpu.memref_slice %arg1[%add3A_485, %dma_wait3A_491] : memref<8192x2048xf32, #tpu.memory_space<hbm>> -> memref<128x2048xf32, #tpu.memory_space<hbm>>
    tpu.wait_dma2 semaphore(%arg6 : memref<!tpu.dma_semaphore, #tpu.memory_space<semaphore_mem>>) src(%dma_wait3A_492 : memref<128x2048xf32, #tpu.memory_space<hbm>>) dst(%dma_wait3A_490 : memref<128x2048xf32, #tpu.memory_space<vmem_shared>>)
    %add3A_493 = arith.constant 1792 : i32
    %add3A_494 = arith.addi %mul3A_0, %add3A_493 : i32
    %dma_start3A_495 = arith.constant 2 : i32
    %dma_start3A_496 = arith.constant 0 : i32
    %dma_start3A_497 = tpu.memref_slice %arg2[%add3A_494, %dma_start3A_496] : memref<8192x2048xf32, #tpu.memory_space<hbm>> -> memref<128x2048xf32, #tpu.memory_space<hbm>>
    %dma_start3A_498 = arith.constant 0 : i32
    %dma_start3A_499 = arith.constant 0 : i32
    %dma_start3A_500 = tpu.memref_slice %arg3[%dma_start3A_495, %dma_start3A_498, %dma_start3A_499] : memref<4x128x2048xf32, #tpu.memory_space<vmem_shared>> -> memref<1x128x2048xf32, #tpu.memory_space<vmem_shared>>
    %dma_start3A_501 = tpu.memref_squeeze %dma_start3A_500 : memref<1x128x2048xf32, #tpu.memory_space<vmem_shared>> -> memref<128x2048xf32, #tpu.memory_space<vmem_shared>>
    tpu.enqueue_dma source(%dma_start3A_501 : memref<128x2048xf32, #tpu.memory_space<vmem_shared>>) target(%dma_start3A_497 : memref<128x2048xf32, #tpu.memory_space<hbm>>) target_semaphore(%arg10 : memref<!tpu.dma_semaphore, #tpu.memory_space<semaphore_mem>>)
    %add3A_502 = arith.constant 1408 : i32
    %add3A_503 = arith.addi %mul3A_0, %add3A_502 : i32
    %dma_wait3A_504 = arith.constant 3 : i32
    %dma_wait3A_505 = arith.constant 0 : i32
    %dma_wait3A_506 = tpu.memref_slice %arg2[%add3A_503, %dma_wait3A_505] : memref<8192x2048xf32, #tpu.memory_space<hbm>> -> memref<128x2048xf32, #tpu.memory_space<hbm>>
    %dma_wait3A_507 = arith.constant 0 : i32
    %dma_wait3A_508 = arith.constant 0 : i32
    %dma_wait3A_509 = tpu.memref_slice %arg3[%dma_wait3A_504, %dma_wait3A_507, %dma_wait3A_508] : memref<4x128x2048xf32, #tpu.memory_space<vmem_shared>> -> memref<1x128x2048xf32, #tpu.memory_space<vmem_shared>>
    %dma_wait3A_510 = tpu.memref_squeeze %dma_wait3A_509 : memref<1x128x2048xf32, #tpu.memory_space<vmem_shared>> -> memref<128x2048xf32, #tpu.memory_space<vmem_shared>>
    tpu.wait_dma2 semaphore(%arg11 : memref<!tpu.dma_semaphore, #tpu.memory_space<semaphore_mem>>) src(%dma_wait3A_510 : memref<128x2048xf32, #tpu.memory_space<vmem_shared>>) dst(%dma_wait3A_506 : memref<128x2048xf32, #tpu.memory_space<hbm>>)
    %add3A_511 = arith.constant 1920 : i32
    %add3A_512 = arith.addi %mul3A_0, %add3A_511 : i32
    %dma_start3A_513 = arith.constant 3 : i32
    %dma_start3A_514 = arith.constant 0 : i32
    %dma_start3A_515 = arith.constant 0 : i32
    %dma_start3A_516 = tpu.memref_slice %arg3[%dma_start3A_513, %dma_start3A_514, %dma_start3A_515] : memref<4x128x2048xf32, #tpu.memory_space<vmem_shared>> -> memref<1x128x2048xf32, #tpu.memory_space<vmem_shared>>
    %dma_start3A_517 = tpu.memref_squeeze %dma_start3A_516 : memref<1x128x2048xf32, #tpu.memory_space<vmem_shared>> -> memref<128x2048xf32, #tpu.memory_space<vmem_shared>>
    %dma_start3A_518 = arith.constant 0 : i32
    %dma_start3A_519 = tpu.memref_slice %arg1[%add3A_512, %dma_start3A_518] : memref<8192x2048xf32, #tpu.memory_space<hbm>> -> memref<128x2048xf32, #tpu.memory_space<hbm>>
    tpu.enqueue_dma source(%dma_start3A_519 : memref<128x2048xf32, #tpu.memory_space<hbm>>) target(%dma_start3A_517 : memref<128x2048xf32, #tpu.memory_space<vmem_shared>>) target_semaphore(%arg7 : memref<!tpu.dma_semaphore, #tpu.memory_space<semaphore_mem>>)
    %add3A_520 = arith.constant 1920 : i32
    %add3A_521 = arith.addi %mul3A_0, %add3A_520 : i32
    %dma_wait3A_522 = arith.constant 3 : i32
    %dma_wait3A_523 = arith.constant 0 : i32
    %dma_wait3A_524 = arith.constant 0 : i32
    %dma_wait3A_525 = tpu.memref_slice %arg3[%dma_wait3A_522, %dma_wait3A_523, %dma_wait3A_524] : memref<4x128x2048xf32, #tpu.memory_space<vmem_shared>> -> memref<1x128x2048xf32, #tpu.memory_space<vmem_shared>>
    %dma_wait3A_526 = tpu.memref_squeeze %dma_wait3A_525 : memref<1x128x2048xf32, #tpu.memory_space<vmem_shared>> -> memref<128x2048xf32, #tpu.memory_space<vmem_shared>>
    %dma_wait3A_527 = arith.constant 0 : i32
    %dma_wait3A_528 = tpu.memref_slice %arg1[%add3A_521, %dma_wait3A_527] : memref<8192x2048xf32, #tpu.memory_space<hbm>> -> memref<128x2048xf32, #tpu.memory_space<hbm>>
    tpu.wait_dma2 semaphore(%arg7 : memref<!tpu.dma_semaphore, #tpu.memory_space<semaphore_mem>>) src(%dma_wait3A_528 : memref<128x2048xf32, #tpu.memory_space<hbm>>) dst(%dma_wait3A_526 : memref<128x2048xf32, #tpu.memory_space<vmem_shared>>)
    %add3A_529 = arith.constant 1920 : i32
    %add3A_530 = arith.addi %mul3A_0, %add3A_529 : i32
    %dma_start3A_531 = arith.constant 3 : i32
    %dma_start3A_532 = arith.constant 0 : i32
    %dma_start3A_533 = tpu.memref_slice %arg2[%add3A_530, %dma_start3A_532] : memref<8192x2048xf32, #tpu.memory_space<hbm>> -> memref<128x2048xf32, #tpu.memory_space<hbm>>
    %dma_start3A_534 = arith.constant 0 : i32
    %dma_start3A_535 = arith.constant 0 : i32
    %dma_start3A_536 = tpu.memref_slice %arg3[%dma_start3A_531, %dma_start3A_534, %dma_start3A_535] : memref<4x128x2048xf32, #tpu.memory_space<vmem_shared>> -> memref<1x128x2048xf32, #tpu.memory_space<vmem_shared>>
    %dma_start3A_537 = tpu.memref_squeeze %dma_start3A_536 : memref<1x128x2048xf32, #tpu.memory_space<vmem_shared>> -> memref<128x2048xf32, #tpu.memory_space<vmem_shared>>
    tpu.enqueue_dma source(%dma_start3A_537 : memref<128x2048xf32, #tpu.memory_space<vmem_shared>>) target(%dma_start3A_533 : memref<128x2048xf32, #tpu.memory_space<hbm>>) target_semaphore(%arg11 : memref<!tpu.dma_semaphore, #tpu.memory_space<semaphore_mem>>)
    %add3A_538 = arith.constant 1536 : i32
    %add3A_539 = arith.addi %mul3A_0, %add3A_538 : i32
    %dma_wait3A_540 = arith.constant 0 : i32
    %dma_wait3A_541 = arith.constant 0 : i32
    %dma_wait3A_542 = tpu.memref_slice %arg2[%add3A_539, %dma_wait3A_541] : memref<8192x2048xf32, #tpu.memory_space<hbm>> -> memref<128x2048xf32, #tpu.memory_space<hbm>>
    %dma_wait3A_543 = arith.constant 0 : i32
    %dma_wait3A_544 = arith.constant 0 : i32
    %dma_wait3A_545 = tpu.memref_slice %arg3[%dma_wait3A_540, %dma_wait3A_543, %dma_wait3A_544] : memref<4x128x2048xf32, #tpu.memory_space<vmem_shared>> -> memref<1x128x2048xf32, #tpu.memory_space<vmem_shared>>
    %dma_wait3A_546 = tpu.memref_squeeze %dma_wait3A_545 : memref<1x128x2048xf32, #tpu.memory_space<vmem_shared>> -> memref<128x2048xf32, #tpu.memory_space<vmem_shared>>
    tpu.wait_dma2 semaphore(%arg8 : memref<!tpu.dma_semaphore, #tpu.memory_space<semaphore_mem>>) src(%dma_wait3A_546 : memref<128x2048xf32, #tpu.memory_space<vmem_shared>>) dst(%dma_wait3A_542 : memref<128x2048xf32, #tpu.memory_space<hbm>>)
    %add3A_547 = arith.constant 2048 : i32
    %add3A_548 = arith.addi %mul3A_0, %add3A_547 : i32
    %dma_start3A_549 = arith.constant 0 : i32
    %dma_start3A_550 = arith.constant 0 : i32
    %dma_start3A_551 = arith.constant 0 : i32
    %dma_start3A_552 = tpu.memref_slice %arg3[%dma_start3A_549, %dma_start3A_550, %dma_start3A_551] : memref<4x128x2048xf32, #tpu.memory_space<vmem_shared>> -> memref<1x128x2048xf32, #tpu.memory_space<vmem_shared>>
    %dma_start3A_553 = tpu.memref_squeeze %dma_start3A_552 : memref<1x128x2048xf32, #tpu.memory_space<vmem_shared>> -> memref<128x2048xf32, #tpu.memory_space<vmem_shared>>
    %dma_start3A_554 = arith.constant 0 : i32
    %dma_start3A_555 = tpu.memref_slice %arg1[%add3A_548, %dma_start3A_554] : memref<8192x2048xf32, #tpu.memory_space<hbm>> -> memref<128x2048xf32, #tpu.memory_space<hbm>>
    tpu.enqueue_dma source(%dma_start3A_555 : memref<128x2048xf32, #tpu.memory_space<hbm>>) target(%dma_start3A_553 : memref<128x2048xf32, #tpu.memory_space<vmem_shared>>) target_semaphore(%arg4 : memref<!tpu.dma_semaphore, #tpu.memory_space<semaphore_mem>>)
    %add3A_556 = arith.constant 2048 : i32
    %add3A_557 = arith.addi %mul3A_0, %add3A_556 : i32
    %dma_wait3A_558 = arith.constant 0 : i32
    %dma_wait3A_559 = arith.constant 0 : i32
    %dma_wait3A_560 = arith.constant 0 : i32
    %dma_wait3A_561 = tpu.memref_slice %arg3[%dma_wait3A_558, %dma_wait3A_559, %dma_wait3A_560] : memref<4x128x2048xf32, #tpu.memory_space<vmem_shared>> -> memref<1x128x2048xf32, #tpu.memory_space<vmem_shared>>
    %dma_wait3A_562 = tpu.memref_squeeze %dma_wait3A_561 : memref<1x128x2048xf32, #tpu.memory_space<vmem_shared>> -> memref<128x2048xf32, #tpu.memory_space<vmem_shared>>
    %dma_wait3A_563 = arith.constant 0 : i32
    %dma_wait3A_564 = tpu.memref_slice %arg1[%add3A_557, %dma_wait3A_563] : memref<8192x2048xf32, #tpu.memory_space<hbm>> -> memref<128x2048xf32, #tpu.memory_space<hbm>>
    tpu.wait_dma2 semaphore(%arg4 : memref<!tpu.dma_semaphore, #tpu.memory_space<semaphore_mem>>) src(%dma_wait3A_564 : memref<128x2048xf32, #tpu.memory_space<hbm>>) dst(%dma_wait3A_562 : memref<128x2048xf32, #tpu.memory_space<vmem_shared>>)
    %add3A_565 = arith.constant 2048 : i32
    %add3A_566 = arith.addi %mul3A_0, %add3A_565 : i32
    %dma_start3A_567 = arith.constant 0 : i32
    %dma_start3A_568 = arith.constant 0 : i32
    %dma_start3A_569 = tpu.memref_slice %arg2[%add3A_566, %dma_start3A_568] : memref<8192x2048xf32, #tpu.memory_space<hbm>> -> memref<128x2048xf32, #tpu.memory_space<hbm>>
    %dma_start3A_570 = arith.constant 0 : i32
    %dma_start3A_571 = arith.constant 0 : i32
    %dma_start3A_572 = tpu.memref_slice %arg3[%dma_start3A_567, %dma_start3A_570, %dma_start3A_571] : memref<4x128x2048xf32, #tpu.memory_space<vmem_shared>> -> memref<1x128x2048xf32, #tpu.memory_space<vmem_shared>>
    %dma_start3A_573 = tpu.memref_squeeze %dma_start3A_572 : memref<1x128x2048xf32, #tpu.memory_space<vmem_shared>> -> memref<128x2048xf32, #tpu.memory_space<vmem_shared>>
    tpu.enqueue_dma source(%dma_start3A_573 : memref<128x2048xf32, #tpu.memory_space<vmem_shared>>) target(%dma_start3A_569 : memref<128x2048xf32, #tpu.memory_space<hbm>>) target_semaphore(%arg8 : memref<!tpu.dma_semaphore, #tpu.memory_space<semaphore_mem>>)
    %add3A_574 = arith.constant 1664 : i32
    %add3A_575 = arith.addi %mul3A_0, %add3A_574 : i32
    %dma_wait3A_576 = arith.constant 1 : i32
    %dma_wait3A_577 = arith.constant 0 : i32
    %dma_wait3A_578 = tpu.memref_slice %arg2[%add3A_575, %dma_wait3A_577] : memref<8192x2048xf32, #tpu.memory_space<hbm>> -> memref<128x2048xf32, #tpu.memory_space<hbm>>
    %dma_wait3A_579 = arith.constant 0 : i32
    %dma_wait3A_580 = arith.constant 0 : i32
    %dma_wait3A_581 = tpu.memref_slice %arg3[%dma_wait3A_576, %dma_wait3A_579, %dma_wait3A_580] : memref<4x128x2048xf32, #tpu.memory_space<vmem_shared>> -> memref<1x128x2048xf32, #tpu.memory_space<vmem_shared>>
    %dma_wait3A_582 = tpu.memref_squeeze %dma_wait3A_581 : memref<1x128x2048xf32, #tpu.memory_space<vmem_shared>> -> memref<128x2048xf32, #tpu.memory_space<vmem_shared>>
    tpu.wait_dma2 semaphore(%arg9 : memref<!tpu.dma_semaphore, #tpu.memory_space<semaphore_mem>>) src(%dma_wait3A_582 : memref<128x2048xf32, #tpu.memory_space<vmem_shared>>) dst(%dma_wait3A_578 : memref<128x2048xf32, #tpu.memory_space<hbm>>)
    %add3A_583 = arith.constant 2176 : i32
    %add3A_584 = arith.addi %mul3A_0, %add3A_583 : i32
    %dma_start3A_585 = arith.constant 1 : i32
    %dma_start3A_586 = arith.constant 0 : i32
    %dma_start3A_587 = arith.constant 0 : i32
    %dma_start3A_588 = tpu.memref_slice %arg3[%dma_start3A_585, %dma_start3A_586, %dma_start3A_587] : memref<4x128x2048xf32, #tpu.memory_space<vmem_shared>> -> memref<1x128x2048xf32, #tpu.memory_space<vmem_shared>>
    %dma_start3A_589 = tpu.memref_squeeze %dma_start3A_588 : memref<1x128x2048xf32, #tpu.memory_space<vmem_shared>> -> memref<128x2048xf32, #tpu.memory_space<vmem_shared>>
    %dma_start3A_590 = arith.constant 0 : i32
    %dma_start3A_591 = tpu.memref_slice %arg1[%add3A_584, %dma_start3A_590] : memref<8192x2048xf32, #tpu.memory_space<hbm>> -> memref<128x2048xf32, #tpu.memory_space<hbm>>
    tpu.enqueue_dma source(%dma_start3A_591 : memref<128x2048xf32, #tpu.memory_space<hbm>>) target(%dma_start3A_589 : memref<128x2048xf32, #tpu.memory_space<vmem_shared>>) target_semaphore(%arg5 : memref<!tpu.dma_semaphore, #tpu.memory_space<semaphore_mem>>)
    %add3A_592 = arith.constant 2176 : i32
    %add3A_593 = arith.addi %mul3A_0, %add3A_592 : i32
    %dma_wait3A_594 = arith.constant 1 : i32
    %dma_wait3A_595 = arith.constant 0 : i32
    %dma_wait3A_596 = arith.constant 0 : i32
    %dma_wait3A_597 = tpu.memref_slice %arg3[%dma_wait3A_594, %dma_wait3A_595, %dma_wait3A_596] : memref<4x128x2048xf32, #tpu.memory_space<vmem_shared>> -> memref<1x128x2048xf32, #tpu.memory_space<vmem_shared>>
    %dma_wait3A_598 = tpu.memref_squeeze %dma_wait3A_597 : memref<1x128x2048xf32, #tpu.memory_space<vmem_shared>> -> memref<128x2048xf32, #tpu.memory_space<vmem_shared>>
    %dma_wait3A_599 = arith.constant 0 : i32
    %dma_wait3A_600 = tpu.memref_slice %arg1[%add3A_593, %dma_wait3A_599] : memref<8192x2048xf32, #tpu.memory_space<hbm>> -> memref<128x2048xf32, #tpu.memory_space<hbm>>
    tpu.wait_dma2 semaphore(%arg5 : memref<!tpu.dma_semaphore, #tpu.memory_space<semaphore_mem>>) src(%dma_wait3A_600 : memref<128x2048xf32, #tpu.memory_space<hbm>>) dst(%dma_wait3A_598 : memref<128x2048xf32, #tpu.memory_space<vmem_shared>>)
    %add3A_601 = arith.constant 2176 : i32
    %add3A_602 = arith.addi %mul3A_0, %add3A_601 : i32
    %dma_start3A_603 = arith.constant 1 : i32
    %dma_start3A_604 = arith.constant 0 : i32
    %dma_start3A_605 = tpu.memref_slice %arg2[%add3A_602, %dma_start3A_604] : memref<8192x2048xf32, #tpu.memory_space<hbm>> -> memref<128x2048xf32, #tpu.memory_space<hbm>>
    %dma_start3A_606 = arith.constant 0 : i32
    %dma_start3A_607 = arith.constant 0 : i32
    %dma_start3A_608 = tpu.memref_slice %arg3[%dma_start3A_603, %dma_start3A_606, %dma_start3A_607] : memref<4x128x2048xf32, #tpu.memory_space<vmem_shared>> -> memref<1x128x2048xf32, #tpu.memory_space<vmem_shared>>
    %dma_start3A_609 = tpu.memref_squeeze %dma_start3A_608 : memref<1x128x2048xf32, #tpu.memory_space<vmem_shared>> -> memref<128x2048xf32, #tpu.memory_space<vmem_shared>>
    tpu.enqueue_dma source(%dma_start3A_609 : memref<128x2048xf32, #tpu.memory_space<vmem_shared>>) target(%dma_start3A_605 : memref<128x2048xf32, #tpu.memory_space<hbm>>) target_semaphore(%arg9 : memref<!tpu.dma_semaphore, #tpu.memory_space<semaphore_mem>>)
    %add3A_610 = arith.constant 1792 : i32
    %add3A_611 = arith.addi %mul3A_0, %add3A_610 : i32
    %dma_wait3A_612 = arith.constant 2 : i32
    %dma_wait3A_613 = arith.constant 0 : i32
    %dma_wait3A_614 = tpu.memref_slice %arg2[%add3A_611, %dma_wait3A_613] : memref<8192x2048xf32, #tpu.memory_space<hbm>> -> memref<128x2048xf32, #tpu.memory_space<hbm>>
    %dma_wait3A_615 = arith.constant 0 : i32
    %dma_wait3A_616 = arith.constant 0 : i32
    %dma_wait3A_617 = tpu.memref_slice %arg3[%dma_wait3A_612, %dma_wait3A_615, %dma_wait3A_616] : memref<4x128x2048xf32, #tpu.memory_space<vmem_shared>> -> memref<1x128x2048xf32, #tpu.memory_space<vmem_shared>>
    %dma_wait3A_618 = tpu.memref_squeeze %dma_wait3A_617 : memref<1x128x2048xf32, #tpu.memory_space<vmem_shared>> -> memref<128x2048xf32, #tpu.memory_space<vmem_shared>>
    tpu.wait_dma2 semaphore(%arg10 : memref<!tpu.dma_semaphore, #tpu.memory_space<semaphore_mem>>) src(%dma_wait3A_618 : memref<128x2048xf32, #tpu.memory_space<vmem_shared>>) dst(%dma_wait3A_614 : memref<128x2048xf32, #tpu.memory_space<hbm>>)
    %add3A_619 = arith.constant 2304 : i32
    %add3A_620 = arith.addi %mul3A_0, %add3A_619 : i32
    %dma_start3A_621 = arith.constant 2 : i32
    %dma_start3A_622 = arith.constant 0 : i32
    %dma_start3A_623 = arith.constant 0 : i32
    %dma_start3A_624 = tpu.memref_slice %arg3[%dma_start3A_621, %dma_start3A_622, %dma_start3A_623] : memref<4x128x2048xf32, #tpu.memory_space<vmem_shared>> -> memref<1x128x2048xf32, #tpu.memory_space<vmem_shared>>
    %dma_start3A_625 = tpu.memref_squeeze %dma_start3A_624 : memref<1x128x2048xf32, #tpu.memory_space<vmem_shared>> -> memref<128x2048xf32, #tpu.memory_space<vmem_shared>>
    %dma_start3A_626 = arith.constant 0 : i32
    %dma_start3A_627 = tpu.memref_slice %arg1[%add3A_620, %dma_start3A_626] : memref<8192x2048xf32, #tpu.memory_space<hbm>> -> memref<128x2048xf32, #tpu.memory_space<hbm>>
    tpu.enqueue_dma source(%dma_start3A_627 : memref<128x2048xf32, #tpu.memory_space<hbm>>) target(%dma_start3A_625 : memref<128x2048xf32, #tpu.memory_space<vmem_shared>>) target_semaphore(%arg6 : memref<!tpu.dma_semaphore, #tpu.memory_space<semaphore_mem>>)
    %add3A_628 = arith.constant 2304 : i32
    %add3A_629 = arith.addi %mul3A_0, %add3A_628 : i32
    %dma_wait3A_630 = arith.constant 2 : i32
    %dma_wait3A_631 = arith.constant 0 : i32
    %dma_wait3A_632 = arith.constant 0 : i32
    %dma_wait3A_633 = tpu.memref_slice %arg3[%dma_wait3A_630, %dma_wait3A_631, %dma_wait3A_632] : memref<4x128x2048xf32, #tpu.memory_space<vmem_shared>> -> memref<1x128x2048xf32, #tpu.memory_space<vmem_shared>>
    %dma_wait3A_634 = tpu.memref_squeeze %dma_wait3A_633 : memref<1x128x2048xf32, #tpu.memory_space<vmem_shared>> -> memref<128x2048xf32, #tpu.memory_space<vmem_shared>>
    %dma_wait3A_635 = arith.constant 0 : i32
    %dma_wait3A_636 = tpu.memref_slice %arg1[%add3A_629, %dma_wait3A_635] : memref<8192x2048xf32, #tpu.memory_space<hbm>> -> memref<128x2048xf32, #tpu.memory_space<hbm>>
    tpu.wait_dma2 semaphore(%arg6 : memref<!tpu.dma_semaphore, #tpu.memory_space<semaphore_mem>>) src(%dma_wait3A_636 : memref<128x2048xf32, #tpu.memory_space<hbm>>) dst(%dma_wait3A_634 : memref<128x2048xf32, #tpu.memory_space<vmem_shared>>)
    %add3A_637 = arith.constant 2304 : i32
    %add3A_638 = arith.addi %mul3A_0, %add3A_637 : i32
    %dma_start3A_639 = arith.constant 2 : i32
    %dma_start3A_640 = arith.constant 0 : i32
    %dma_start3A_641 = tpu.memref_slice %arg2[%add3A_638, %dma_start3A_640] : memref<8192x2048xf32, #tpu.memory_space<hbm>> -> memref<128x2048xf32, #tpu.memory_space<hbm>>
    %dma_start3A_642 = arith.constant 0 : i32
    %dma_start3A_643 = arith.constant 0 : i32
    %dma_start3A_644 = tpu.memref_slice %arg3[%dma_start3A_639, %dma_start3A_642, %dma_start3A_643] : memref<4x128x2048xf32, #tpu.memory_space<vmem_shared>> -> memref<1x128x2048xf32, #tpu.memory_space<vmem_shared>>
    %dma_start3A_645 = tpu.memref_squeeze %dma_start3A_644 : memref<1x128x2048xf32, #tpu.memory_space<vmem_shared>> -> memref<128x2048xf32, #tpu.memory_space<vmem_shared>>
    tpu.enqueue_dma source(%dma_start3A_645 : memref<128x2048xf32, #tpu.memory_space<vmem_shared>>) target(%dma_start3A_641 : memref<128x2048xf32, #tpu.memory_space<hbm>>) target_semaphore(%arg10 : memref<!tpu.dma_semaphore, #tpu.memory_space<semaphore_mem>>)
    %add3A_646 = arith.constant 1920 : i32
    %add3A_647 = arith.addi %mul3A_0, %add3A_646 : i32
    %dma_wait3A_648 = arith.constant 3 : i32
    %dma_wait3A_649 = arith.constant 0 : i32
    %dma_wait3A_650 = tpu.memref_slice %arg2[%add3A_647, %dma_wait3A_649] : memref<8192x2048xf32, #tpu.memory_space<hbm>> -> memref<128x2048xf32, #tpu.memory_space<hbm>>
    %dma_wait3A_651 = arith.constant 0 : i32
    %dma_wait3A_652 = arith.constant 0 : i32
    %dma_wait3A_653 = tpu.memref_slice %arg3[%dma_wait3A_648, %dma_wait3A_651, %dma_wait3A_652] : memref<4x128x2048xf32, #tpu.memory_space<vmem_shared>> -> memref<1x128x2048xf32, #tpu.memory_space<vmem_shared>>
    %dma_wait3A_654 = tpu.memref_squeeze %dma_wait3A_653 : memref<1x128x2048xf32, #tpu.memory_space<vmem_shared>> -> memref<128x2048xf32, #tpu.memory_space<vmem_shared>>
    tpu.wait_dma2 semaphore(%arg11 : memref<!tpu.dma_semaphore, #tpu.memory_space<semaphore_mem>>) src(%dma_wait3A_654 : memref<128x2048xf32, #tpu.memory_space<vmem_shared>>) dst(%dma_wait3A_650 : memref<128x2048xf32, #tpu.memory_space<hbm>>)
    %add3A_655 = arith.constant 2432 : i32
    %add3A_656 = arith.addi %mul3A_0, %add3A_655 : i32
    %dma_start3A_657 = arith.constant 3 : i32
    %dma_start3A_658 = arith.constant 0 : i32
    %dma_start3A_659 = arith.constant 0 : i32
    %dma_start3A_660 = tpu.memref_slice %arg3[%dma_start3A_657, %dma_start3A_658, %dma_start3A_659] : memref<4x128x2048xf32, #tpu.memory_space<vmem_shared>> -> memref<1x128x2048xf32, #tpu.memory_space<vmem_shared>>
    %dma_start3A_661 = tpu.memref_squeeze %dma_start3A_660 : memref<1x128x2048xf32, #tpu.memory_space<vmem_shared>> -> memref<128x2048xf32, #tpu.memory_space<vmem_shared>>
    %dma_start3A_662 = arith.constant 0 : i32
    %dma_start3A_663 = tpu.memref_slice %arg1[%add3A_656, %dma_start3A_662] : memref<8192x2048xf32, #tpu.memory_space<hbm>> -> memref<128x2048xf32, #tpu.memory_space<hbm>>
    tpu.enqueue_dma source(%dma_start3A_663 : memref<128x2048xf32, #tpu.memory_space<hbm>>) target(%dma_start3A_661 : memref<128x2048xf32, #tpu.memory_space<vmem_shared>>) target_semaphore(%arg7 : memref<!tpu.dma_semaphore, #tpu.memory_space<semaphore_mem>>)
    %add3A_664 = arith.constant 2432 : i32
    %add3A_665 = arith.addi %mul3A_0, %add3A_664 : i32
    %dma_wait3A_666 = arith.constant 3 : i32
    %dma_wait3A_667 = arith.constant 0 : i32
    %dma_wait3A_668 = arith.constant 0 : i32
    %dma_wait3A_669 = tpu.memref_slice %arg3[%dma_wait3A_666, %dma_wait3A_667, %dma_wait3A_668] : memref<4x128x2048xf32, #tpu.memory_space<vmem_shared>> -> memref<1x128x2048xf32, #tpu.memory_space<vmem_shared>>
    %dma_wait3A_670 = tpu.memref_squeeze %dma_wait3A_669 : memref<1x128x2048xf32, #tpu.memory_space<vmem_shared>> -> memref<128x2048xf32, #tpu.memory_space<vmem_shared>>
    %dma_wait3A_671 = arith.constant 0 : i32
    %dma_wait3A_672 = tpu.memref_slice %arg1[%add3A_665, %dma_wait3A_671] : memref<8192x2048xf32, #tpu.memory_space<hbm>> -> memref<128x2048xf32, #tpu.memory_space<hbm>>
    tpu.wait_dma2 semaphore(%arg7 : memref<!tpu.dma_semaphore, #tpu.memory_space<semaphore_mem>>) src(%dma_wait3A_672 : memref<128x2048xf32, #tpu.memory_space<hbm>>) dst(%dma_wait3A_670 : memref<128x2048xf32, #tpu.memory_space<vmem_shared>>)
    %add3A_673 = arith.constant 2432 : i32
    %add3A_674 = arith.addi %mul3A_0, %add3A_673 : i32
    %dma_start3A_675 = arith.constant 3 : i32
    %dma_start3A_676 = arith.constant 0 : i32
    %dma_start3A_677 = tpu.memref_slice %arg2[%add3A_674, %dma_start3A_676] : memref<8192x2048xf32, #tpu.memory_space<hbm>> -> memref<128x2048xf32, #tpu.memory_space<hbm>>
    %dma_start3A_678 = arith.constant 0 : i32
    %dma_start3A_679 = arith.constant 0 : i32
    %dma_start3A_680 = tpu.memref_slice %arg3[%dma_start3A_675, %dma_start3A_678, %dma_start3A_679] : memref<4x128x2048xf32, #tpu.memory_space<vmem_shared>> -> memref<1x128x2048xf32, #tpu.memory_space<vmem_shared>>
    %dma_start3A_681 = tpu.memref_squeeze %dma_start3A_680 : memref<1x128x2048xf32, #tpu.memory_space<vmem_shared>> -> memref<128x2048xf32, #tpu.memory_space<vmem_shared>>
    tpu.enqueue_dma source(%dma_start3A_681 : memref<128x2048xf32, #tpu.memory_space<vmem_shared>>) target(%dma_start3A_677 : memref<128x2048xf32, #tpu.memory_space<hbm>>) target_semaphore(%arg11 : memref<!tpu.dma_semaphore, #tpu.memory_space<semaphore_mem>>)
    %add3A_682 = arith.constant 2048 : i32
    %add3A_683 = arith.addi %mul3A_0, %add3A_682 : i32
    %dma_wait3A_684 = arith.constant 0 : i32
    %dma_wait3A_685 = arith.constant 0 : i32
    %dma_wait3A_686 = tpu.memref_slice %arg2[%add3A_683, %dma_wait3A_685] : memref<8192x2048xf32, #tpu.memory_space<hbm>> -> memref<128x2048xf32, #tpu.memory_space<hbm>>
    %dma_wait3A_687 = arith.constant 0 : i32
    %dma_wait3A_688 = arith.constant 0 : i32
    %dma_wait3A_689 = tpu.memref_slice %arg3[%dma_wait3A_684, %dma_wait3A_687, %dma_wait3A_688] : memref<4x128x2048xf32, #tpu.memory_space<vmem_shared>> -> memref<1x128x2048xf32, #tpu.memory_space<vmem_shared>>
    %dma_wait3A_690 = tpu.memref_squeeze %dma_wait3A_689 : memref<1x128x2048xf32, #tpu.memory_space<vmem_shared>> -> memref<128x2048xf32, #tpu.memory_space<vmem_shared>>
    tpu.wait_dma2 semaphore(%arg8 : memref<!tpu.dma_semaphore, #tpu.memory_space<semaphore_mem>>) src(%dma_wait3A_690 : memref<128x2048xf32, #tpu.memory_space<vmem_shared>>) dst(%dma_wait3A_686 : memref<128x2048xf32, #tpu.memory_space<hbm>>)
    %add3A_691 = arith.constant 2560 : i32
    %add3A_692 = arith.addi %mul3A_0, %add3A_691 : i32
    %dma_start3A_693 = arith.constant 0 : i32
    %dma_start3A_694 = arith.constant 0 : i32
    %dma_start3A_695 = arith.constant 0 : i32
    %dma_start3A_696 = tpu.memref_slice %arg3[%dma_start3A_693, %dma_start3A_694, %dma_start3A_695] : memref<4x128x2048xf32, #tpu.memory_space<vmem_shared>> -> memref<1x128x2048xf32, #tpu.memory_space<vmem_shared>>
    %dma_start3A_697 = tpu.memref_squeeze %dma_start3A_696 : memref<1x128x2048xf32, #tpu.memory_space<vmem_shared>> -> memref<128x2048xf32, #tpu.memory_space<vmem_shared>>
    %dma_start3A_698 = arith.constant 0 : i32
    %dma_start3A_699 = tpu.memref_slice %arg1[%add3A_692, %dma_start3A_698] : memref<8192x2048xf32, #tpu.memory_space<hbm>> -> memref<128x2048xf32, #tpu.memory_space<hbm>>
    tpu.enqueue_dma source(%dma_start3A_699 : memref<128x2048xf32, #tpu.memory_space<hbm>>) target(%dma_start3A_697 : memref<128x2048xf32, #tpu.memory_space<vmem_shared>>) target_semaphore(%arg4 : memref<!tpu.dma_semaphore, #tpu.memory_space<semaphore_mem>>)
    %add3A_700 = arith.constant 2560 : i32
    %add3A_701 = arith.addi %mul3A_0, %add3A_700 : i32
    %dma_wait3A_702 = arith.constant 0 : i32
    %dma_wait3A_703 = arith.constant 0 : i32
    %dma_wait3A_704 = arith.constant 0 : i32
    %dma_wait3A_705 = tpu.memref_slice %arg3[%dma_wait3A_702, %dma_wait3A_703, %dma_wait3A_704] : memref<4x128x2048xf32, #tpu.memory_space<vmem_shared>> -> memref<1x128x2048xf32, #tpu.memory_space<vmem_shared>>
    %dma_wait3A_706 = tpu.memref_squeeze %dma_wait3A_705 : memref<1x128x2048xf32, #tpu.memory_space<vmem_shared>> -> memref<128x2048xf32, #tpu.memory_space<vmem_shared>>
    %dma_wait3A_707 = arith.constant 0 : i32
    %dma_wait3A_708 = tpu.memref_slice %arg1[%add3A_701, %dma_wait3A_707] : memref<8192x2048xf32, #tpu.memory_space<hbm>> -> memref<128x2048xf32, #tpu.memory_space<hbm>>
    tpu.wait_dma2 semaphore(%arg4 : memref<!tpu.dma_semaphore, #tpu.memory_space<semaphore_mem>>) src(%dma_wait3A_708 : memref<128x2048xf32, #tpu.memory_space<hbm>>) dst(%dma_wait3A_706 : memref<128x2048xf32, #tpu.memory_space<vmem_shared>>)
    %add3A_709 = arith.constant 2560 : i32
    %add3A_710 = arith.addi %mul3A_0, %add3A_709 : i32
    %dma_start3A_711 = arith.constant 0 : i32
    %dma_start3A_712 = arith.constant 0 : i32
    %dma_start3A_713 = tpu.memref_slice %arg2[%add3A_710, %dma_start3A_712] : memref<8192x2048xf32, #tpu.memory_space<hbm>> -> memref<128x2048xf32, #tpu.memory_space<hbm>>
    %dma_start3A_714 = arith.constant 0 : i32
    %dma_start3A_715 = arith.constant 0 : i32
    %dma_start3A_716 = tpu.memref_slice %arg3[%dma_start3A_711, %dma_start3A_714, %dma_start3A_715] : memref<4x128x2048xf32, #tpu.memory_space<vmem_shared>> -> memref<1x128x2048xf32, #tpu.memory_space<vmem_shared>>
    %dma_start3A_717 = tpu.memref_squeeze %dma_start3A_716 : memref<1x128x2048xf32, #tpu.memory_space<vmem_shared>> -> memref<128x2048xf32, #tpu.memory_space<vmem_shared>>
    tpu.enqueue_dma source(%dma_start3A_717 : memref<128x2048xf32, #tpu.memory_space<vmem_shared>>) target(%dma_start3A_713 : memref<128x2048xf32, #tpu.memory_space<hbm>>) target_semaphore(%arg8 : memref<!tpu.dma_semaphore, #tpu.memory_space<semaphore_mem>>)
    %add3A_718 = arith.constant 2176 : i32
    %add3A_719 = arith.addi %mul3A_0, %add3A_718 : i32
    %dma_wait3A_720 = arith.constant 1 : i32
    %dma_wait3A_721 = arith.constant 0 : i32
    %dma_wait3A_722 = tpu.memref_slice %arg2[%add3A_719, %dma_wait3A_721] : memref<8192x2048xf32, #tpu.memory_space<hbm>> -> memref<128x2048xf32, #tpu.memory_space<hbm>>
    %dma_wait3A_723 = arith.constant 0 : i32
    %dma_wait3A_724 = arith.constant 0 : i32
    %dma_wait3A_725 = tpu.memref_slice %arg3[%dma_wait3A_720, %dma_wait3A_723, %dma_wait3A_724] : memref<4x128x2048xf32, #tpu.memory_space<vmem_shared>> -> memref<1x128x2048xf32, #tpu.memory_space<vmem_shared>>
    %dma_wait3A_726 = tpu.memref_squeeze %dma_wait3A_725 : memref<1x128x2048xf32, #tpu.memory_space<vmem_shared>> -> memref<128x2048xf32, #tpu.memory_space<vmem_shared>>
    tpu.wait_dma2 semaphore(%arg9 : memref<!tpu.dma_semaphore, #tpu.memory_space<semaphore_mem>>) src(%dma_wait3A_726 : memref<128x2048xf32, #tpu.memory_space<vmem_shared>>) dst(%dma_wait3A_722 : memref<128x2048xf32, #tpu.memory_space<hbm>>)
    %add3A_727 = arith.constant 2688 : i32
    %add3A_728 = arith.addi %mul3A_0, %add3A_727 : i32
    %dma_start3A_729 = arith.constant 1 : i32
    %dma_start3A_730 = arith.constant 0 : i32
    %dma_start3A_731 = arith.constant 0 : i32
    %dma_start3A_732 = tpu.memref_slice %arg3[%dma_start3A_729, %dma_start3A_730, %dma_start3A_731] : memref<4x128x2048xf32, #tpu.memory_space<vmem_shared>> -> memref<1x128x2048xf32, #tpu.memory_space<vmem_shared>>
    %dma_start3A_733 = tpu.memref_squeeze %dma_start3A_732 : memref<1x128x2048xf32, #tpu.memory_space<vmem_shared>> -> memref<128x2048xf32, #tpu.memory_space<vmem_shared>>
    %dma_start3A_734 = arith.constant 0 : i32
    %dma_start3A_735 = tpu.memref_slice %arg1[%add3A_728, %dma_start3A_734] : memref<8192x2048xf32, #tpu.memory_space<hbm>> -> memref<128x2048xf32, #tpu.memory_space<hbm>>
    tpu.enqueue_dma source(%dma_start3A_735 : memref<128x2048xf32, #tpu.memory_space<hbm>>) target(%dma_start3A_733 : memref<128x2048xf32, #tpu.memory_space<vmem_shared>>) target_semaphore(%arg5 : memref<!tpu.dma_semaphore, #tpu.memory_space<semaphore_mem>>)
    %add3A_736 = arith.constant 2688 : i32
    %add3A_737 = arith.addi %mul3A_0, %add3A_736 : i32
    %dma_wait3A_738 = arith.constant 1 : i32
    %dma_wait3A_739 = arith.constant 0 : i32
    %dma_wait3A_740 = arith.constant 0 : i32
    %dma_wait3A_741 = tpu.memref_slice %arg3[%dma_wait3A_738, %dma_wait3A_739, %dma_wait3A_740] : memref<4x128x2048xf32, #tpu.memory_space<vmem_shared>> -> memref<1x128x2048xf32, #tpu.memory_space<vmem_shared>>
    %dma_wait3A_742 = tpu.memref_squeeze %dma_wait3A_741 : memref<1x128x2048xf32, #tpu.memory_space<vmem_shared>> -> memref<128x2048xf32, #tpu.memory_space<vmem_shared>>
    %dma_wait3A_743 = arith.constant 0 : i32
    %dma_wait3A_744 = tpu.memref_slice %arg1[%add3A_737, %dma_wait3A_743] : memref<8192x2048xf32, #tpu.memory_space<hbm>> -> memref<128x2048xf32, #tpu.memory_space<hbm>>
    tpu.wait_dma2 semaphore(%arg5 : memref<!tpu.dma_semaphore, #tpu.memory_space<semaphore_mem>>) src(%dma_wait3A_744 : memref<128x2048xf32, #tpu.memory_space<hbm>>) dst(%dma_wait3A_742 : memref<128x2048xf32, #tpu.memory_space<vmem_shared>>)
    %add3A_745 = arith.constant 2688 : i32
    %add3A_746 = arith.addi %mul3A_0, %add3A_745 : i32
    %dma_start3A_747 = arith.constant 1 : i32
    %dma_start3A_748 = arith.constant 0 : i32
    %dma_start3A_749 = tpu.memref_slice %arg2[%add3A_746, %dma_start3A_748] : memref<8192x2048xf32, #tpu.memory_space<hbm>> -> memref<128x2048xf32, #tpu.memory_space<hbm>>
    %dma_start3A_750 = arith.constant 0 : i32
    %dma_start3A_751 = arith.constant 0 : i32
    %dma_start3A_752 = tpu.memref_slice %arg3[%dma_start3A_747, %dma_start3A_750, %dma_start3A_751] : memref<4x128x2048xf32, #tpu.memory_space<vmem_shared>> -> memref<1x128x2048xf32, #tpu.memory_space<vmem_shared>>
    %dma_start3A_753 = tpu.memref_squeeze %dma_start3A_752 : memref<1x128x2048xf32, #tpu.memory_space<vmem_shared>> -> memref<128x2048xf32, #tpu.memory_space<vmem_shared>>
    tpu.enqueue_dma source(%dma_start3A_753 : memref<128x2048xf32, #tpu.memory_space<vmem_shared>>) target(%dma_start3A_749 : memref<128x2048xf32, #tpu.memory_space<hbm>>) target_semaphore(%arg9 : memref<!tpu.dma_semaphore, #tpu.memory_space<semaphore_mem>>)
    %add3A_754 = arith.constant 2304 : i32
    %add3A_755 = arith.addi %mul3A_0, %add3A_754 : i32
    %dma_wait3A_756 = arith.constant 2 : i32
    %dma_wait3A_757 = arith.constant 0 : i32
    %dma_wait3A_758 = tpu.memref_slice %arg2[%add3A_755, %dma_wait3A_757] : memref<8192x2048xf32, #tpu.memory_space<hbm>> -> memref<128x2048xf32, #tpu.memory_space<hbm>>
    %dma_wait3A_759 = arith.constant 0 : i32
    %dma_wait3A_760 = arith.constant 0 : i32
    %dma_wait3A_761 = tpu.memref_slice %arg3[%dma_wait3A_756, %dma_wait3A_759, %dma_wait3A_760] : memref<4x128x2048xf32, #tpu.memory_space<vmem_shared>> -> memref<1x128x2048xf32, #tpu.memory_space<vmem_shared>>
    %dma_wait3A_762 = tpu.memref_squeeze %dma_wait3A_761 : memref<1x128x2048xf32, #tpu.memory_space<vmem_shared>> -> memref<128x2048xf32, #tpu.memory_space<vmem_shared>>
    tpu.wait_dma2 semaphore(%arg10 : memref<!tpu.dma_semaphore, #tpu.memory_space<semaphore_mem>>) src(%dma_wait3A_762 : memref<128x2048xf32, #tpu.memory_space<vmem_shared>>) dst(%dma_wait3A_758 : memref<128x2048xf32, #tpu.memory_space<hbm>>)
    %add3A_763 = arith.constant 2816 : i32
    %add3A_764 = arith.addi %mul3A_0, %add3A_763 : i32
    %dma_start3A_765 = arith.constant 2 : i32
    %dma_start3A_766 = arith.constant 0 : i32
    %dma_start3A_767 = arith.constant 0 : i32
    %dma_start3A_768 = tpu.memref_slice %arg3[%dma_start3A_765, %dma_start3A_766, %dma_start3A_767] : memref<4x128x2048xf32, #tpu.memory_space<vmem_shared>> -> memref<1x128x2048xf32, #tpu.memory_space<vmem_shared>>
    %dma_start3A_769 = tpu.memref_squeeze %dma_start3A_768 : memref<1x128x2048xf32, #tpu.memory_space<vmem_shared>> -> memref<128x2048xf32, #tpu.memory_space<vmem_shared>>
    %dma_start3A_770 = arith.constant 0 : i32
    %dma_start3A_771 = tpu.memref_slice %arg1[%add3A_764, %dma_start3A_770] : memref<8192x2048xf32, #tpu.memory_space<hbm>> -> memref<128x2048xf32, #tpu.memory_space<hbm>>
    tpu.enqueue_dma source(%dma_start3A_771 : memref<128x2048xf32, #tpu.memory_space<hbm>>) target(%dma_start3A_769 : memref<128x2048xf32, #tpu.memory_space<vmem_shared>>) target_semaphore(%arg6 : memref<!tpu.dma_semaphore, #tpu.memory_space<semaphore_mem>>)
    %add3A_772 = arith.constant 2816 : i32
    %add3A_773 = arith.addi %mul3A_0, %add3A_772 : i32
    %dma_wait3A_774 = arith.constant 2 : i32
    %dma_wait3A_775 = arith.constant 0 : i32
    %dma_wait3A_776 = arith.constant 0 : i32
    %dma_wait3A_777 = tpu.memref_slice %arg3[%dma_wait3A_774, %dma_wait3A_775, %dma_wait3A_776] : memref<4x128x2048xf32, #tpu.memory_space<vmem_shared>> -> memref<1x128x2048xf32, #tpu.memory_space<vmem_shared>>
    %dma_wait3A_778 = tpu.memref_squeeze %dma_wait3A_777 : memref<1x128x2048xf32, #tpu.memory_space<vmem_shared>> -> memref<128x2048xf32, #tpu.memory_space<vmem_shared>>
    %dma_wait3A_779 = arith.constant 0 : i32
    %dma_wait3A_780 = tpu.memref_slice %arg1[%add3A_773, %dma_wait3A_779] : memref<8192x2048xf32, #tpu.memory_space<hbm>> -> memref<128x2048xf32, #tpu.memory_space<hbm>>
    tpu.wait_dma2 semaphore(%arg6 : memref<!tpu.dma_semaphore, #tpu.memory_space<semaphore_mem>>) src(%dma_wait3A_780 : memref<128x2048xf32, #tpu.memory_space<hbm>>) dst(%dma_wait3A_778 : memref<128x2048xf32, #tpu.memory_space<vmem_shared>>)
    %add3A_781 = arith.constant 2816 : i32
    %add3A_782 = arith.addi %mul3A_0, %add3A_781 : i32
    %dma_start3A_783 = arith.constant 2 : i32
    %dma_start3A_784 = arith.constant 0 : i32
    %dma_start3A_785 = tpu.memref_slice %arg2[%add3A_782, %dma_start3A_784] : memref<8192x2048xf32, #tpu.memory_space<hbm>> -> memref<128x2048xf32, #tpu.memory_space<hbm>>
    %dma_start3A_786 = arith.constant 0 : i32
    %dma_start3A_787 = arith.constant 0 : i32
    %dma_start3A_788 = tpu.memref_slice %arg3[%dma_start3A_783, %dma_start3A_786, %dma_start3A_787] : memref<4x128x2048xf32, #tpu.memory_space<vmem_shared>> -> memref<1x128x2048xf32, #tpu.memory_space<vmem_shared>>
    %dma_start3A_789 = tpu.memref_squeeze %dma_start3A_788 : memref<1x128x2048xf32, #tpu.memory_space<vmem_shared>> -> memref<128x2048xf32, #tpu.memory_space<vmem_shared>>
    tpu.enqueue_dma source(%dma_start3A_789 : memref<128x2048xf32, #tpu.memory_space<vmem_shared>>) target(%dma_start3A_785 : memref<128x2048xf32, #tpu.memory_space<hbm>>) target_semaphore(%arg10 : memref<!tpu.dma_semaphore, #tpu.memory_space<semaphore_mem>>)
    %add3A_790 = arith.constant 2432 : i32
    %add3A_791 = arith.addi %mul3A_0, %add3A_790 : i32
    %dma_wait3A_792 = arith.constant 3 : i32
    %dma_wait3A_793 = arith.constant 0 : i32
    %dma_wait3A_794 = tpu.memref_slice %arg2[%add3A_791, %dma_wait3A_793] : memref<8192x2048xf32, #tpu.memory_space<hbm>> -> memref<128x2048xf32, #tpu.memory_space<hbm>>
    %dma_wait3A_795 = arith.constant 0 : i32
    %dma_wait3A_796 = arith.constant 0 : i32
    %dma_wait3A_797 = tpu.memref_slice %arg3[%dma_wait3A_792, %dma_wait3A_795, %dma_wait3A_796] : memref<4x128x2048xf32, #tpu.memory_space<vmem_shared>> -> memref<1x128x2048xf32, #tpu.memory_space<vmem_shared>>
    %dma_wait3A_798 = tpu.memref_squeeze %dma_wait3A_797 : memref<1x128x2048xf32, #tpu.memory_space<vmem_shared>> -> memref<128x2048xf32, #tpu.memory_space<vmem_shared>>
    tpu.wait_dma2 semaphore(%arg11 : memref<!tpu.dma_semaphore, #tpu.memory_space<semaphore_mem>>) src(%dma_wait3A_798 : memref<128x2048xf32, #tpu.memory_space<vmem_shared>>) dst(%dma_wait3A_794 : memref<128x2048xf32, #tpu.memory_space<hbm>>)
    %add3A_799 = arith.constant 2944 : i32
    %add3A_800 = arith.addi %mul3A_0, %add3A_799 : i32
    %dma_start3A_801 = arith.constant 3 : i32
    %dma_start3A_802 = arith.constant 0 : i32
    %dma_start3A_803 = arith.constant 0 : i32
    %dma_start3A_804 = tpu.memref_slice %arg3[%dma_start3A_801, %dma_start3A_802, %dma_start3A_803] : memref<4x128x2048xf32, #tpu.memory_space<vmem_shared>> -> memref<1x128x2048xf32, #tpu.memory_space<vmem_shared>>
    %dma_start3A_805 = tpu.memref_squeeze %dma_start3A_804 : memref<1x128x2048xf32, #tpu.memory_space<vmem_shared>> -> memref<128x2048xf32, #tpu.memory_space<vmem_shared>>
    %dma_start3A_806 = arith.constant 0 : i32
    %dma_start3A_807 = tpu.memref_slice %arg1[%add3A_800, %dma_start3A_806] : memref<8192x2048xf32, #tpu.memory_space<hbm>> -> memref<128x2048xf32, #tpu.memory_space<hbm>>
    tpu.enqueue_dma source(%dma_start3A_807 : memref<128x2048xf32, #tpu.memory_space<hbm>>) target(%dma_start3A_805 : memref<128x2048xf32, #tpu.memory_space<vmem_shared>>) target_semaphore(%arg7 : memref<!tpu.dma_semaphore, #tpu.memory_space<semaphore_mem>>)
    %add3A_808 = arith.constant 2944 : i32
    %add3A_809 = arith.addi %mul3A_0, %add3A_808 : i32
    %dma_wait3A_810 = arith.constant 3 : i32
    %dma_wait3A_811 = arith.constant 0 : i32
    %dma_wait3A_812 = arith.constant 0 : i32
    %dma_wait3A_813 = tpu.memref_slice %arg3[%dma_wait3A_810, %dma_wait3A_811, %dma_wait3A_812] : memref<4x128x2048xf32, #tpu.memory_space<vmem_shared>> -> memref<1x128x2048xf32, #tpu.memory_space<vmem_shared>>
    %dma_wait3A_814 = tpu.memref_squeeze %dma_wait3A_813 : memref<1x128x2048xf32, #tpu.memory_space<vmem_shared>> -> memref<128x2048xf32, #tpu.memory_space<vmem_shared>>
    %dma_wait3A_815 = arith.constant 0 : i32
    %dma_wait3A_816 = tpu.memref_slice %arg1[%add3A_809, %dma_wait3A_815] : memref<8192x2048xf32, #tpu.memory_space<hbm>> -> memref<128x2048xf32, #tpu.memory_space<hbm>>
    tpu.wait_dma2 semaphore(%arg7 : memref<!tpu.dma_semaphore, #tpu.memory_space<semaphore_mem>>) src(%dma_wait3A_816 : memref<128x2048xf32, #tpu.memory_space<hbm>>) dst(%dma_wait3A_814 : memref<128x2048xf32, #tpu.memory_space<vmem_shared>>)
    %add3A_817 = arith.constant 2944 : i32
    %add3A_818 = arith.addi %mul3A_0, %add3A_817 : i32
    %dma_start3A_819 = arith.constant 3 : i32
    %dma_start3A_820 = arith.constant 0 : i32
    %dma_start3A_821 = tpu.memref_slice %arg2[%add3A_818, %dma_start3A_820] : memref<8192x2048xf32, #tpu.memory_space<hbm>> -> memref<128x2048xf32, #tpu.memory_space<hbm>>
    %dma_start3A_822 = arith.constant 0 : i32
    %dma_start3A_823 = arith.constant 0 : i32
    %dma_start3A_824 = tpu.memref_slice %arg3[%dma_start3A_819, %dma_start3A_822, %dma_start3A_823] : memref<4x128x2048xf32, #tpu.memory_space<vmem_shared>> -> memref<1x128x2048xf32, #tpu.memory_space<vmem_shared>>
    %dma_start3A_825 = tpu.memref_squeeze %dma_start3A_824 : memref<1x128x2048xf32, #tpu.memory_space<vmem_shared>> -> memref<128x2048xf32, #tpu.memory_space<vmem_shared>>
    tpu.enqueue_dma source(%dma_start3A_825 : memref<128x2048xf32, #tpu.memory_space<vmem_shared>>) target(%dma_start3A_821 : memref<128x2048xf32, #tpu.memory_space<hbm>>) target_semaphore(%arg11 : memref<!tpu.dma_semaphore, #tpu.memory_space<semaphore_mem>>)
    %add3A_826 = arith.constant 2560 : i32
    %add3A_827 = arith.addi %mul3A_0, %add3A_826 : i32
    %dma_wait3A_828 = arith.constant 0 : i32
    %dma_wait3A_829 = arith.constant 0 : i32
    %dma_wait3A_830 = tpu.memref_slice %arg2[%add3A_827, %dma_wait3A_829] : memref<8192x2048xf32, #tpu.memory_space<hbm>> -> memref<128x2048xf32, #tpu.memory_space<hbm>>
    %dma_wait3A_831 = arith.constant 0 : i32
    %dma_wait3A_832 = arith.constant 0 : i32
    %dma_wait3A_833 = tpu.memref_slice %arg3[%dma_wait3A_828, %dma_wait3A_831, %dma_wait3A_832] : memref<4x128x2048xf32, #tpu.memory_space<vmem_shared>> -> memref<1x128x2048xf32, #tpu.memory_space<vmem_shared>>
    %dma_wait3A_834 = tpu.memref_squeeze %dma_wait3A_833 : memref<1x128x2048xf32, #tpu.memory_space<vmem_shared>> -> memref<128x2048xf32, #tpu.memory_space<vmem_shared>>
    tpu.wait_dma2 semaphore(%arg8 : memref<!tpu.dma_semaphore, #tpu.memory_space<semaphore_mem>>) src(%dma_wait3A_834 : memref<128x2048xf32, #tpu.memory_space<vmem_shared>>) dst(%dma_wait3A_830 : memref<128x2048xf32, #tpu.memory_space<hbm>>)
    %add3A_835 = arith.constant 3072 : i32
    %add3A_836 = arith.addi %mul3A_0, %add3A_835 : i32
    %dma_start3A_837 = arith.constant 0 : i32
    %dma_start3A_838 = arith.constant 0 : i32
    %dma_start3A_839 = arith.constant 0 : i32
    %dma_start3A_840 = tpu.memref_slice %arg3[%dma_start3A_837, %dma_start3A_838, %dma_start3A_839] : memref<4x128x2048xf32, #tpu.memory_space<vmem_shared>> -> memref<1x128x2048xf32, #tpu.memory_space<vmem_shared>>
    %dma_start3A_841 = tpu.memref_squeeze %dma_start3A_840 : memref<1x128x2048xf32, #tpu.memory_space<vmem_shared>> -> memref<128x2048xf32, #tpu.memory_space<vmem_shared>>
    %dma_start3A_842 = arith.constant 0 : i32
    %dma_start3A_843 = tpu.memref_slice %arg1[%add3A_836, %dma_start3A_842] : memref<8192x2048xf32, #tpu.memory_space<hbm>> -> memref<128x2048xf32, #tpu.memory_space<hbm>>
    tpu.enqueue_dma source(%dma_start3A_843 : memref<128x2048xf32, #tpu.memory_space<hbm>>) target(%dma_start3A_841 : memref<128x2048xf32, #tpu.memory_space<vmem_shared>>) target_semaphore(%arg4 : memref<!tpu.dma_semaphore, #tpu.memory_space<semaphore_mem>>)
    %add3A_844 = arith.constant 3072 : i32
    %add3A_845 = arith.addi %mul3A_0, %add3A_844 : i32
    %dma_wait3A_846 = arith.constant 0 : i32
    %dma_wait3A_847 = arith.constant 0 : i32
    %dma_wait3A_848 = arith.constant 0 : i32
    %dma_wait3A_849 = tpu.memref_slice %arg3[%dma_wait3A_846, %dma_wait3A_847, %dma_wait3A_848] : memref<4x128x2048xf32, #tpu.memory_space<vmem_shared>> -> memref<1x128x2048xf32, #tpu.memory_space<vmem_shared>>
    %dma_wait3A_850 = tpu.memref_squeeze %dma_wait3A_849 : memref<1x128x2048xf32, #tpu.memory_space<vmem_shared>> -> memref<128x2048xf32, #tpu.memory_space<vmem_shared>>
    %dma_wait3A_851 = arith.constant 0 : i32
    %dma_wait3A_852 = tpu.memref_slice %arg1[%add3A_845, %dma_wait3A_851] : memref<8192x2048xf32, #tpu.memory_space<hbm>> -> memref<128x2048xf32, #tpu.memory_space<hbm>>
    tpu.wait_dma2 semaphore(%arg4 : memref<!tpu.dma_semaphore, #tpu.memory_space<semaphore_mem>>) src(%dma_wait3A_852 : memref<128x2048xf32, #tpu.memory_space<hbm>>) dst(%dma_wait3A_850 : memref<128x2048xf32, #tpu.memory_space<vmem_shared>>)
    %add3A_853 = arith.constant 3072 : i32
    %add3A_854 = arith.addi %mul3A_0, %add3A_853 : i32
    %dma_start3A_855 = arith.constant 0 : i32
    %dma_start3A_856 = arith.constant 0 : i32
    %dma_start3A_857 = tpu.memref_slice %arg2[%add3A_854, %dma_start3A_856] : memref<8192x2048xf32, #tpu.memory_space<hbm>> -> memref<128x2048xf32, #tpu.memory_space<hbm>>
    %dma_start3A_858 = arith.constant 0 : i32
    %dma_start3A_859 = arith.constant 0 : i32
    %dma_start3A_860 = tpu.memref_slice %arg3[%dma_start3A_855, %dma_start3A_858, %dma_start3A_859] : memref<4x128x2048xf32, #tpu.memory_space<vmem_shared>> -> memref<1x128x2048xf32, #tpu.memory_space<vmem_shared>>
    %dma_start3A_861 = tpu.memref_squeeze %dma_start3A_860 : memref<1x128x2048xf32, #tpu.memory_space<vmem_shared>> -> memref<128x2048xf32, #tpu.memory_space<vmem_shared>>
    tpu.enqueue_dma source(%dma_start3A_861 : memref<128x2048xf32, #tpu.memory_space<vmem_shared>>) target(%dma_start3A_857 : memref<128x2048xf32, #tpu.memory_space<hbm>>) target_semaphore(%arg8 : memref<!tpu.dma_semaphore, #tpu.memory_space<semaphore_mem>>)
    %add3A_862 = arith.constant 2688 : i32
    %add3A_863 = arith.addi %mul3A_0, %add3A_862 : i32
    %dma_wait3A_864 = arith.constant 1 : i32
    %dma_wait3A_865 = arith.constant 0 : i32
    %dma_wait3A_866 = tpu.memref_slice %arg2[%add3A_863, %dma_wait3A_865] : memref<8192x2048xf32, #tpu.memory_space<hbm>> -> memref<128x2048xf32, #tpu.memory_space<hbm>>
    %dma_wait3A_867 = arith.constant 0 : i32
    %dma_wait3A_868 = arith.constant 0 : i32
    %dma_wait3A_869 = tpu.memref_slice %arg3[%dma_wait3A_864, %dma_wait3A_867, %dma_wait3A_868] : memref<4x128x2048xf32, #tpu.memory_space<vmem_shared>> -> memref<1x128x2048xf32, #tpu.memory_space<vmem_shared>>
    %dma_wait3A_870 = tpu.memref_squeeze %dma_wait3A_869 : memref<1x128x2048xf32, #tpu.memory_space<vmem_shared>> -> memref<128x2048xf32, #tpu.memory_space<vmem_shared>>
    tpu.wait_dma2 semaphore(%arg9 : memref<!tpu.dma_semaphore, #tpu.memory_space<semaphore_mem>>) src(%dma_wait3A_870 : memref<128x2048xf32, #tpu.memory_space<vmem_shared>>) dst(%dma_wait3A_866 : memref<128x2048xf32, #tpu.memory_space<hbm>>)
    %add3A_871 = arith.constant 3200 : i32
    %add3A_872 = arith.addi %mul3A_0, %add3A_871 : i32
    %dma_start3A_873 = arith.constant 1 : i32
    %dma_start3A_874 = arith.constant 0 : i32
    %dma_start3A_875 = arith.constant 0 : i32
    %dma_start3A_876 = tpu.memref_slice %arg3[%dma_start3A_873, %dma_start3A_874, %dma_start3A_875] : memref<4x128x2048xf32, #tpu.memory_space<vmem_shared>> -> memref<1x128x2048xf32, #tpu.memory_space<vmem_shared>>
    %dma_start3A_877 = tpu.memref_squeeze %dma_start3A_876 : memref<1x128x2048xf32, #tpu.memory_space<vmem_shared>> -> memref<128x2048xf32, #tpu.memory_space<vmem_shared>>
    %dma_start3A_878 = arith.constant 0 : i32
    %dma_start3A_879 = tpu.memref_slice %arg1[%add3A_872, %dma_start3A_878] : memref<8192x2048xf32, #tpu.memory_space<hbm>> -> memref<128x2048xf32, #tpu.memory_space<hbm>>
    tpu.enqueue_dma source(%dma_start3A_879 : memref<128x2048xf32, #tpu.memory_space<hbm>>) target(%dma_start3A_877 : memref<128x2048xf32, #tpu.memory_space<vmem_shared>>) target_semaphore(%arg5 : memref<!tpu.dma_semaphore, #tpu.memory_space<semaphore_mem>>)
    %add3A_880 = arith.constant 3200 : i32
    %add3A_881 = arith.addi %mul3A_0, %add3A_880 : i32
    %dma_wait3A_882 = arith.constant 1 : i32
    %dma_wait3A_883 = arith.constant 0 : i32
    %dma_wait3A_884 = arith.constant 0 : i32
    %dma_wait3A_885 = tpu.memref_slice %arg3[%dma_wait3A_882, %dma_wait3A_883, %dma_wait3A_884] : memref<4x128x2048xf32, #tpu.memory_space<vmem_shared>> -> memref<1x128x2048xf32, #tpu.memory_space<vmem_shared>>
    %dma_wait3A_886 = tpu.memref_squeeze %dma_wait3A_885 : memref<1x128x2048xf32, #tpu.memory_space<vmem_shared>> -> memref<128x2048xf32, #tpu.memory_space<vmem_shared>>
    %dma_wait3A_887 = arith.constant 0 : i32
    %dma_wait3A_888 = tpu.memref_slice %arg1[%add3A_881, %dma_wait3A_887] : memref<8192x2048xf32, #tpu.memory_space<hbm>> -> memref<128x2048xf32, #tpu.memory_space<hbm>>
    tpu.wait_dma2 semaphore(%arg5 : memref<!tpu.dma_semaphore, #tpu.memory_space<semaphore_mem>>) src(%dma_wait3A_888 : memref<128x2048xf32, #tpu.memory_space<hbm>>) dst(%dma_wait3A_886 : memref<128x2048xf32, #tpu.memory_space<vmem_shared>>)
    %add3A_889 = arith.constant 3200 : i32
    %add3A_890 = arith.addi %mul3A_0, %add3A_889 : i32
    %dma_start3A_891 = arith.constant 1 : i32
    %dma_start3A_892 = arith.constant 0 : i32
    %dma_start3A_893 = tpu.memref_slice %arg2[%add3A_890, %dma_start3A_892] : memref<8192x2048xf32, #tpu.memory_space<hbm>> -> memref<128x2048xf32, #tpu.memory_space<hbm>>
    %dma_start3A_894 = arith.constant 0 : i32
    %dma_start3A_895 = arith.constant 0 : i32
    %dma_start3A_896 = tpu.memref_slice %arg3[%dma_start3A_891, %dma_start3A_894, %dma_start3A_895] : memref<4x128x2048xf32, #tpu.memory_space<vmem_shared>> -> memref<1x128x2048xf32, #tpu.memory_space<vmem_shared>>
    %dma_start3A_897 = tpu.memref_squeeze %dma_start3A_896 : memref<1x128x2048xf32, #tpu.memory_space<vmem_shared>> -> memref<128x2048xf32, #tpu.memory_space<vmem_shared>>
    tpu.enqueue_dma source(%dma_start3A_897 : memref<128x2048xf32, #tpu.memory_space<vmem_shared>>) target(%dma_start3A_893 : memref<128x2048xf32, #tpu.memory_space<hbm>>) target_semaphore(%arg9 : memref<!tpu.dma_semaphore, #tpu.memory_space<semaphore_mem>>)
    %add3A_898 = arith.constant 2816 : i32
    %add3A_899 = arith.addi %mul3A_0, %add3A_898 : i32
    %dma_wait3A_900 = arith.constant 2 : i32
    %dma_wait3A_901 = arith.constant 0 : i32
    %dma_wait3A_902 = tpu.memref_slice %arg2[%add3A_899, %dma_wait3A_901] : memref<8192x2048xf32, #tpu.memory_space<hbm>> -> memref<128x2048xf32, #tpu.memory_space<hbm>>
    %dma_wait3A_903 = arith.constant 0 : i32
    %dma_wait3A_904 = arith.constant 0 : i32
    %dma_wait3A_905 = tpu.memref_slice %arg3[%dma_wait3A_900, %dma_wait3A_903, %dma_wait3A_904] : memref<4x128x2048xf32, #tpu.memory_space<vmem_shared>> -> memref<1x128x2048xf32, #tpu.memory_space<vmem_shared>>
    %dma_wait3A_906 = tpu.memref_squeeze %dma_wait3A_905 : memref<1x128x2048xf32, #tpu.memory_space<vmem_shared>> -> memref<128x2048xf32, #tpu.memory_space<vmem_shared>>
    tpu.wait_dma2 semaphore(%arg10 : memref<!tpu.dma_semaphore, #tpu.memory_space<semaphore_mem>>) src(%dma_wait3A_906 : memref<128x2048xf32, #tpu.memory_space<vmem_shared>>) dst(%dma_wait3A_902 : memref<128x2048xf32, #tpu.memory_space<hbm>>)
    %add3A_907 = arith.constant 3328 : i32
    %add3A_908 = arith.addi %mul3A_0, %add3A_907 : i32
    %dma_start3A_909 = arith.constant 2 : i32
    %dma_start3A_910 = arith.constant 0 : i32
    %dma_start3A_911 = arith.constant 0 : i32
    %dma_start3A_912 = tpu.memref_slice %arg3[%dma_start3A_909, %dma_start3A_910, %dma_start3A_911] : memref<4x128x2048xf32, #tpu.memory_space<vmem_shared>> -> memref<1x128x2048xf32, #tpu.memory_space<vmem_shared>>
    %dma_start3A_913 = tpu.memref_squeeze %dma_start3A_912 : memref<1x128x2048xf32, #tpu.memory_space<vmem_shared>> -> memref<128x2048xf32, #tpu.memory_space<vmem_shared>>
    %dma_start3A_914 = arith.constant 0 : i32
    %dma_start3A_915 = tpu.memref_slice %arg1[%add3A_908, %dma_start3A_914] : memref<8192x2048xf32, #tpu.memory_space<hbm>> -> memref<128x2048xf32, #tpu.memory_space<hbm>>
    tpu.enqueue_dma source(%dma_start3A_915 : memref<128x2048xf32, #tpu.memory_space<hbm>>) target(%dma_start3A_913 : memref<128x2048xf32, #tpu.memory_space<vmem_shared>>) target_semaphore(%arg6 : memref<!tpu.dma_semaphore, #tpu.memory_space<semaphore_mem>>)
    %add3A_916 = arith.constant 3328 : i32
    %add3A_917 = arith.addi %mul3A_0, %add3A_916 : i32
    %dma_wait3A_918 = arith.constant 2 : i32
    %dma_wait3A_919 = arith.constant 0 : i32
    %dma_wait3A_920 = arith.constant 0 : i32
    %dma_wait3A_921 = tpu.memref_slice %arg3[%dma_wait3A_918, %dma_wait3A_919, %dma_wait3A_920] : memref<4x128x2048xf32, #tpu.memory_space<vmem_shared>> -> memref<1x128x2048xf32, #tpu.memory_space<vmem_shared>>
    %dma_wait3A_922 = tpu.memref_squeeze %dma_wait3A_921 : memref<1x128x2048xf32, #tpu.memory_space<vmem_shared>> -> memref<128x2048xf32, #tpu.memory_space<vmem_shared>>
    %dma_wait3A_923 = arith.constant 0 : i32
    %dma_wait3A_924 = tpu.memref_slice %arg1[%add3A_917, %dma_wait3A_923] : memref<8192x2048xf32, #tpu.memory_space<hbm>> -> memref<128x2048xf32, #tpu.memory_space<hbm>>
    tpu.wait_dma2 semaphore(%arg6 : memref<!tpu.dma_semaphore, #tpu.memory_space<semaphore_mem>>) src(%dma_wait3A_924 : memref<128x2048xf32, #tpu.memory_space<hbm>>) dst(%dma_wait3A_922 : memref<128x2048xf32, #tpu.memory_space<vmem_shared>>)
    %add3A_925 = arith.constant 3328 : i32
    %add3A_926 = arith.addi %mul3A_0, %add3A_925 : i32
    %dma_start3A_927 = arith.constant 2 : i32
    %dma_start3A_928 = arith.constant 0 : i32
    %dma_start3A_929 = tpu.memref_slice %arg2[%add3A_926, %dma_start3A_928] : memref<8192x2048xf32, #tpu.memory_space<hbm>> -> memref<128x2048xf32, #tpu.memory_space<hbm>>
    %dma_start3A_930 = arith.constant 0 : i32
    %dma_start3A_931 = arith.constant 0 : i32
    %dma_start3A_932 = tpu.memref_slice %arg3[%dma_start3A_927, %dma_start3A_930, %dma_start3A_931] : memref<4x128x2048xf32, #tpu.memory_space<vmem_shared>> -> memref<1x128x2048xf32, #tpu.memory_space<vmem_shared>>
    %dma_start3A_933 = tpu.memref_squeeze %dma_start3A_932 : memref<1x128x2048xf32, #tpu.memory_space<vmem_shared>> -> memref<128x2048xf32, #tpu.memory_space<vmem_shared>>
    tpu.enqueue_dma source(%dma_start3A_933 : memref<128x2048xf32, #tpu.memory_space<vmem_shared>>) target(%dma_start3A_929 : memref<128x2048xf32, #tpu.memory_space<hbm>>) target_semaphore(%arg10 : memref<!tpu.dma_semaphore, #tpu.memory_space<semaphore_mem>>)
    %add3A_934 = arith.constant 2944 : i32
    %add3A_935 = arith.addi %mul3A_0, %add3A_934 : i32
    %dma_wait3A_936 = arith.constant 3 : i32
    %dma_wait3A_937 = arith.constant 0 : i32
    %dma_wait3A_938 = tpu.memref_slice %arg2[%add3A_935, %dma_wait3A_937] : memref<8192x2048xf32, #tpu.memory_space<hbm>> -> memref<128x2048xf32, #tpu.memory_space<hbm>>
    %dma_wait3A_939 = arith.constant 0 : i32
    %dma_wait3A_940 = arith.constant 0 : i32
    %dma_wait3A_941 = tpu.memref_slice %arg3[%dma_wait3A_936, %dma_wait3A_939, %dma_wait3A_940] : memref<4x128x2048xf32, #tpu.memory_space<vmem_shared>> -> memref<1x128x2048xf32, #tpu.memory_space<vmem_shared>>
    %dma_wait3A_942 = tpu.memref_squeeze %dma_wait3A_941 : memref<1x128x2048xf32, #tpu.memory_space<vmem_shared>> -> memref<128x2048xf32, #tpu.memory_space<vmem_shared>>
    tpu.wait_dma2 semaphore(%arg11 : memref<!tpu.dma_semaphore, #tpu.memory_space<semaphore_mem>>) src(%dma_wait3A_942 : memref<128x2048xf32, #tpu.memory_space<vmem_shared>>) dst(%dma_wait3A_938 : memref<128x2048xf32, #tpu.memory_space<hbm>>)
    %add3A_943 = arith.constant 3456 : i32
    %add3A_944 = arith.addi %mul3A_0, %add3A_943 : i32
    %dma_start3A_945 = arith.constant 3 : i32
    %dma_start3A_946 = arith.constant 0 : i32
    %dma_start3A_947 = arith.constant 0 : i32
    %dma_start3A_948 = tpu.memref_slice %arg3[%dma_start3A_945, %dma_start3A_946, %dma_start3A_947] : memref<4x128x2048xf32, #tpu.memory_space<vmem_shared>> -> memref<1x128x2048xf32, #tpu.memory_space<vmem_shared>>
    %dma_start3A_949 = tpu.memref_squeeze %dma_start3A_948 : memref<1x128x2048xf32, #tpu.memory_space<vmem_shared>> -> memref<128x2048xf32, #tpu.memory_space<vmem_shared>>
    %dma_start3A_950 = arith.constant 0 : i32
    %dma_start3A_951 = tpu.memref_slice %arg1[%add3A_944, %dma_start3A_950] : memref<8192x2048xf32, #tpu.memory_space<hbm>> -> memref<128x2048xf32, #tpu.memory_space<hbm>>
    tpu.enqueue_dma source(%dma_start3A_951 : memref<128x2048xf32, #tpu.memory_space<hbm>>) target(%dma_start3A_949 : memref<128x2048xf32, #tpu.memory_space<vmem_shared>>) target_semaphore(%arg7 : memref<!tpu.dma_semaphore, #tpu.memory_space<semaphore_mem>>)
    %add3A_952 = arith.constant 3456 : i32
    %add3A_953 = arith.addi %mul3A_0, %add3A_952 : i32
    %dma_wait3A_954 = arith.constant 3 : i32
    %dma_wait3A_955 = arith.constant 0 : i32
    %dma_wait3A_956 = arith.constant 0 : i32
    %dma_wait3A_957 = tpu.memref_slice %arg3[%dma_wait3A_954, %dma_wait3A_955, %dma_wait3A_956] : memref<4x128x2048xf32, #tpu.memory_space<vmem_shared>> -> memref<1x128x2048xf32, #tpu.memory_space<vmem_shared>>
    %dma_wait3A_958 = tpu.memref_squeeze %dma_wait3A_957 : memref<1x128x2048xf32, #tpu.memory_space<vmem_shared>> -> memref<128x2048xf32, #tpu.memory_space<vmem_shared>>
    %dma_wait3A_959 = arith.constant 0 : i32
    %dma_wait3A_960 = tpu.memref_slice %arg1[%add3A_953, %dma_wait3A_959] : memref<8192x2048xf32, #tpu.memory_space<hbm>> -> memref<128x2048xf32, #tpu.memory_space<hbm>>
    tpu.wait_dma2 semaphore(%arg7 : memref<!tpu.dma_semaphore, #tpu.memory_space<semaphore_mem>>) src(%dma_wait3A_960 : memref<128x2048xf32, #tpu.memory_space<hbm>>) dst(%dma_wait3A_958 : memref<128x2048xf32, #tpu.memory_space<vmem_shared>>)
    %add3A_961 = arith.constant 3456 : i32
    %add3A_962 = arith.addi %mul3A_0, %add3A_961 : i32
    %dma_start3A_963 = arith.constant 3 : i32
    %dma_start3A_964 = arith.constant 0 : i32
    %dma_start3A_965 = tpu.memref_slice %arg2[%add3A_962, %dma_start3A_964] : memref<8192x2048xf32, #tpu.memory_space<hbm>> -> memref<128x2048xf32, #tpu.memory_space<hbm>>
    %dma_start3A_966 = arith.constant 0 : i32
    %dma_start3A_967 = arith.constant 0 : i32
    %dma_start3A_968 = tpu.memref_slice %arg3[%dma_start3A_963, %dma_start3A_966, %dma_start3A_967] : memref<4x128x2048xf32, #tpu.memory_space<vmem_shared>> -> memref<1x128x2048xf32, #tpu.memory_space<vmem_shared>>
    %dma_start3A_969 = tpu.memref_squeeze %dma_start3A_968 : memref<1x128x2048xf32, #tpu.memory_space<vmem_shared>> -> memref<128x2048xf32, #tpu.memory_space<vmem_shared>>
    tpu.enqueue_dma source(%dma_start3A_969 : memref<128x2048xf32, #tpu.memory_space<vmem_shared>>) target(%dma_start3A_965 : memref<128x2048xf32, #tpu.memory_space<hbm>>) target_semaphore(%arg11 : memref<!tpu.dma_semaphore, #tpu.memory_space<semaphore_mem>>)
    %add3A_970 = arith.constant 3072 : i32
    %add3A_971 = arith.addi %mul3A_0, %add3A_970 : i32
    %dma_wait3A_972 = arith.constant 0 : i32
    %dma_wait3A_973 = arith.constant 0 : i32
    %dma_wait3A_974 = tpu.memref_slice %arg2[%add3A_971, %dma_wait3A_973] : memref<8192x2048xf32, #tpu.memory_space<hbm>> -> memref<128x2048xf32, #tpu.memory_space<hbm>>
    %dma_wait3A_975 = arith.constant 0 : i32
    %dma_wait3A_976 = arith.constant 0 : i32
    %dma_wait3A_977 = tpu.memref_slice %arg3[%dma_wait3A_972, %dma_wait3A_975, %dma_wait3A_976] : memref<4x128x2048xf32, #tpu.memory_space<vmem_shared>> -> memref<1x128x2048xf32, #tpu.memory_space<vmem_shared>>
    %dma_wait3A_978 = tpu.memref_squeeze %dma_wait3A_977 : memref<1x128x2048xf32, #tpu.memory_space<vmem_shared>> -> memref<128x2048xf32, #tpu.memory_space<vmem_shared>>
    tpu.wait_dma2 semaphore(%arg8 : memref<!tpu.dma_semaphore, #tpu.memory_space<semaphore_mem>>) src(%dma_wait3A_978 : memref<128x2048xf32, #tpu.memory_space<vmem_shared>>) dst(%dma_wait3A_974 : memref<128x2048xf32, #tpu.memory_space<hbm>>)
    %add3A_979 = arith.constant 3584 : i32
    %add3A_980 = arith.addi %mul3A_0, %add3A_979 : i32
    %dma_start3A_981 = arith.constant 0 : i32
    %dma_start3A_982 = arith.constant 0 : i32
    %dma_start3A_983 = arith.constant 0 : i32
    %dma_start3A_984 = tpu.memref_slice %arg3[%dma_start3A_981, %dma_start3A_982, %dma_start3A_983] : memref<4x128x2048xf32, #tpu.memory_space<vmem_shared>> -> memref<1x128x2048xf32, #tpu.memory_space<vmem_shared>>
    %dma_start3A_985 = tpu.memref_squeeze %dma_start3A_984 : memref<1x128x2048xf32, #tpu.memory_space<vmem_shared>> -> memref<128x2048xf32, #tpu.memory_space<vmem_shared>>
    %dma_start3A_986 = arith.constant 0 : i32
    %dma_start3A_987 = tpu.memref_slice %arg1[%add3A_980, %dma_start3A_986] : memref<8192x2048xf32, #tpu.memory_space<hbm>> -> memref<128x2048xf32, #tpu.memory_space<hbm>>
    tpu.enqueue_dma source(%dma_start3A_987 : memref<128x2048xf32, #tpu.memory_space<hbm>>) target(%dma_start3A_985 : memref<128x2048xf32, #tpu.memory_space<vmem_shared>>) target_semaphore(%arg4 : memref<!tpu.dma_semaphore, #tpu.memory_space<semaphore_mem>>)
    %add3A_988 = arith.constant 3584 : i32
    %add3A_989 = arith.addi %mul3A_0, %add3A_988 : i32
    %dma_wait3A_990 = arith.constant 0 : i32
    %dma_wait3A_991 = arith.constant 0 : i32
    %dma_wait3A_992 = arith.constant 0 : i32
    %dma_wait3A_993 = tpu.memref_slice %arg3[%dma_wait3A_990, %dma_wait3A_991, %dma_wait3A_992] : memref<4x128x2048xf32, #tpu.memory_space<vmem_shared>> -> memref<1x128x2048xf32, #tpu.memory_space<vmem_shared>>
    %dma_wait3A_994 = tpu.memref_squeeze %dma_wait3A_993 : memref<1x128x2048xf32, #tpu.memory_space<vmem_shared>> -> memref<128x2048xf32, #tpu.memory_space<vmem_shared>>
    %dma_wait3A_995 = arith.constant 0 : i32
    %dma_wait3A_996 = tpu.memref_slice %arg1[%add3A_989, %dma_wait3A_995] : memref<8192x2048xf32, #tpu.memory_space<hbm>> -> memref<128x2048xf32, #tpu.memory_space<hbm>>
    tpu.wait_dma2 semaphore(%arg4 : memref<!tpu.dma_semaphore, #tpu.memory_space<semaphore_mem>>) src(%dma_wait3A_996 : memref<128x2048xf32, #tpu.memory_space<hbm>>) dst(%dma_wait3A_994 : memref<128x2048xf32, #tpu.memory_space<vmem_shared>>)
    %add3A_997 = arith.constant 3584 : i32
    %add3A_998 = arith.addi %mul3A_0, %add3A_997 : i32
    %dma_start3A_999 = arith.constant 0 : i32
    %dma_start3A_1000 = arith.constant 0 : i32
    %dma_start3A_1001 = tpu.memref_slice %arg2[%add3A_998, %dma_start3A_1000] : memref<8192x2048xf32, #tpu.memory_space<hbm>> -> memref<128x2048xf32, #tpu.memory_space<hbm>>
    %dma_start3A_1002 = arith.constant 0 : i32
    %dma_start3A_1003 = arith.constant 0 : i32
    %dma_start3A_1004 = tpu.memref_slice %arg3[%dma_start3A_999, %dma_start3A_1002, %dma_start3A_1003] : memref<4x128x2048xf32, #tpu.memory_space<vmem_shared>> -> memref<1x128x2048xf32, #tpu.memory_space<vmem_shared>>
    %dma_start3A_1005 = tpu.memref_squeeze %dma_start3A_1004 : memref<1x128x2048xf32, #tpu.memory_space<vmem_shared>> -> memref<128x2048xf32, #tpu.memory_space<vmem_shared>>
    tpu.enqueue_dma source(%dma_start3A_1005 : memref<128x2048xf32, #tpu.memory_space<vmem_shared>>) target(%dma_start3A_1001 : memref<128x2048xf32, #tpu.memory_space<hbm>>) target_semaphore(%arg8 : memref<!tpu.dma_semaphore, #tpu.memory_space<semaphore_mem>>)
    %add3A_1006 = arith.constant 3200 : i32
    %add3A_1007 = arith.addi %mul3A_0, %add3A_1006 : i32
    %dma_wait3A_1008 = arith.constant 1 : i32
    %dma_wait3A_1009 = arith.constant 0 : i32
    %dma_wait3A_1010 = tpu.memref_slice %arg2[%add3A_1007, %dma_wait3A_1009] : memref<8192x2048xf32, #tpu.memory_space<hbm>> -> memref<128x2048xf32, #tpu.memory_space<hbm>>
    %dma_wait3A_1011 = arith.constant 0 : i32
    %dma_wait3A_1012 = arith.constant 0 : i32
    %dma_wait3A_1013 = tpu.memref_slice %arg3[%dma_wait3A_1008, %dma_wait3A_1011, %dma_wait3A_1012] : memref<4x128x2048xf32, #tpu.memory_space<vmem_shared>> -> memref<1x128x2048xf32, #tpu.memory_space<vmem_shared>>
    %dma_wait3A_1014 = tpu.memref_squeeze %dma_wait3A_1013 : memref<1x128x2048xf32, #tpu.memory_space<vmem_shared>> -> memref<128x2048xf32, #tpu.memory_space<vmem_shared>>
    tpu.wait_dma2 semaphore(%arg9 : memref<!tpu.dma_semaphore, #tpu.memory_space<semaphore_mem>>) src(%dma_wait3A_1014 : memref<128x2048xf32, #tpu.memory_space<vmem_shared>>) dst(%dma_wait3A_1010 : memref<128x2048xf32, #tpu.memory_space<hbm>>)
    %add3A_1015 = arith.constant 3712 : i32
    %add3A_1016 = arith.addi %mul3A_0, %add3A_1015 : i32
    %dma_start3A_1017 = arith.constant 1 : i32
    %dma_start3A_1018 = arith.constant 0 : i32
    %dma_start3A_1019 = arith.constant 0 : i32
    %dma_start3A_1020 = tpu.memref_slice %arg3[%dma_start3A_1017, %dma_start3A_1018, %dma_start3A_1019] : memref<4x128x2048xf32, #tpu.memory_space<vmem_shared>> -> memref<1x128x2048xf32, #tpu.memory_space<vmem_shared>>
    %dma_start3A_1021 = tpu.memref_squeeze %dma_start3A_1020 : memref<1x128x2048xf32, #tpu.memory_space<vmem_shared>> -> memref<128x2048xf32, #tpu.memory_space<vmem_shared>>
    %dma_start3A_1022 = arith.constant 0 : i32
    %dma_start3A_1023 = tpu.memref_slice %arg1[%add3A_1016, %dma_start3A_1022] : memref<8192x2048xf32, #tpu.memory_space<hbm>> -> memref<128x2048xf32, #tpu.memory_space<hbm>>
    tpu.enqueue_dma source(%dma_start3A_1023 : memref<128x2048xf32, #tpu.memory_space<hbm>>) target(%dma_start3A_1021 : memref<128x2048xf32, #tpu.memory_space<vmem_shared>>) target_semaphore(%arg5 : memref<!tpu.dma_semaphore, #tpu.memory_space<semaphore_mem>>)
    %add3A_1024 = arith.constant 3712 : i32
    %add3A_1025 = arith.addi %mul3A_0, %add3A_1024 : i32
    %dma_wait3A_1026 = arith.constant 1 : i32
    %dma_wait3A_1027 = arith.constant 0 : i32
    %dma_wait3A_1028 = arith.constant 0 : i32
    %dma_wait3A_1029 = tpu.memref_slice %arg3[%dma_wait3A_1026, %dma_wait3A_1027, %dma_wait3A_1028] : memref<4x128x2048xf32, #tpu.memory_space<vmem_shared>> -> memref<1x128x2048xf32, #tpu.memory_space<vmem_shared>>
    %dma_wait3A_1030 = tpu.memref_squeeze %dma_wait3A_1029 : memref<1x128x2048xf32, #tpu.memory_space<vmem_shared>> -> memref<128x2048xf32, #tpu.memory_space<vmem_shared>>
    %dma_wait3A_1031 = arith.constant 0 : i32
    %dma_wait3A_1032 = tpu.memref_slice %arg1[%add3A_1025, %dma_wait3A_1031] : memref<8192x2048xf32, #tpu.memory_space<hbm>> -> memref<128x2048xf32, #tpu.memory_space<hbm>>
    tpu.wait_dma2 semaphore(%arg5 : memref<!tpu.dma_semaphore, #tpu.memory_space<semaphore_mem>>) src(%dma_wait3A_1032 : memref<128x2048xf32, #tpu.memory_space<hbm>>) dst(%dma_wait3A_1030 : memref<128x2048xf32, #tpu.memory_space<vmem_shared>>)
    %add3A_1033 = arith.constant 3712 : i32
    %add3A_1034 = arith.addi %mul3A_0, %add3A_1033 : i32
    %dma_start3A_1035 = arith.constant 1 : i32
    %dma_start3A_1036 = arith.constant 0 : i32
    %dma_start3A_1037 = tpu.memref_slice %arg2[%add3A_1034, %dma_start3A_1036] : memref<8192x2048xf32, #tpu.memory_space<hbm>> -> memref<128x2048xf32, #tpu.memory_space<hbm>>
    %dma_start3A_1038 = arith.constant 0 : i32
    %dma_start3A_1039 = arith.constant 0 : i32
    %dma_start3A_1040 = tpu.memref_slice %arg3[%dma_start3A_1035, %dma_start3A_1038, %dma_start3A_1039] : memref<4x128x2048xf32, #tpu.memory_space<vmem_shared>> -> memref<1x128x2048xf32, #tpu.memory_space<vmem_shared>>
    %dma_start3A_1041 = tpu.memref_squeeze %dma_start3A_1040 : memref<1x128x2048xf32, #tpu.memory_space<vmem_shared>> -> memref<128x2048xf32, #tpu.memory_space<vmem_shared>>
    tpu.enqueue_dma source(%dma_start3A_1041 : memref<128x2048xf32, #tpu.memory_space<vmem_shared>>) target(%dma_start3A_1037 : memref<128x2048xf32, #tpu.memory_space<hbm>>) target_semaphore(%arg9 : memref<!tpu.dma_semaphore, #tpu.memory_space<semaphore_mem>>)
    %add3A_1042 = arith.constant 3328 : i32
    %add3A_1043 = arith.addi %mul3A_0, %add3A_1042 : i32
    %dma_wait3A_1044 = arith.constant 2 : i32
    %dma_wait3A_1045 = arith.constant 0 : i32
    %dma_wait3A_1046 = tpu.memref_slice %arg2[%add3A_1043, %dma_wait3A_1045] : memref<8192x2048xf32, #tpu.memory_space<hbm>> -> memref<128x2048xf32, #tpu.memory_space<hbm>>
    %dma_wait3A_1047 = arith.constant 0 : i32
    %dma_wait3A_1048 = arith.constant 0 : i32
    %dma_wait3A_1049 = tpu.memref_slice %arg3[%dma_wait3A_1044, %dma_wait3A_1047, %dma_wait3A_1048] : memref<4x128x2048xf32, #tpu.memory_space<vmem_shared>> -> memref<1x128x2048xf32, #tpu.memory_space<vmem_shared>>
    %dma_wait3A_1050 = tpu.memref_squeeze %dma_wait3A_1049 : memref<1x128x2048xf32, #tpu.memory_space<vmem_shared>> -> memref<128x2048xf32, #tpu.memory_space<vmem_shared>>
    tpu.wait_dma2 semaphore(%arg10 : memref<!tpu.dma_semaphore, #tpu.memory_space<semaphore_mem>>) src(%dma_wait3A_1050 : memref<128x2048xf32, #tpu.memory_space<vmem_shared>>) dst(%dma_wait3A_1046 : memref<128x2048xf32, #tpu.memory_space<hbm>>)
    %add3A_1051 = arith.constant 3840 : i32
    %add3A_1052 = arith.addi %mul3A_0, %add3A_1051 : i32
    %dma_start3A_1053 = arith.constant 2 : i32
    %dma_start3A_1054 = arith.constant 0 : i32
    %dma_start3A_1055 = arith.constant 0 : i32
    %dma_start3A_1056 = tpu.memref_slice %arg3[%dma_start3A_1053, %dma_start3A_1054, %dma_start3A_1055] : memref<4x128x2048xf32, #tpu.memory_space<vmem_shared>> -> memref<1x128x2048xf32, #tpu.memory_space<vmem_shared>>
    %dma_start3A_1057 = tpu.memref_squeeze %dma_start3A_1056 : memref<1x128x2048xf32, #tpu.memory_space<vmem_shared>> -> memref<128x2048xf32, #tpu.memory_space<vmem_shared>>
    %dma_start3A_1058 = arith.constant 0 : i32
    %dma_start3A_1059 = tpu.memref_slice %arg1[%add3A_1052, %dma_start3A_1058] : memref<8192x2048xf32, #tpu.memory_space<hbm>> -> memref<128x2048xf32, #tpu.memory_space<hbm>>
    tpu.enqueue_dma source(%dma_start3A_1059 : memref<128x2048xf32, #tpu.memory_space<hbm>>) target(%dma_start3A_1057 : memref<128x2048xf32, #tpu.memory_space<vmem_shared>>) target_semaphore(%arg6 : memref<!tpu.dma_semaphore, #tpu.memory_space<semaphore_mem>>)
    %add3A_1060 = arith.constant 3840 : i32
    %add3A_1061 = arith.addi %mul3A_0, %add3A_1060 : i32
    %dma_wait3A_1062 = arith.constant 2 : i32
    %dma_wait3A_1063 = arith.constant 0 : i32
    %dma_wait3A_1064 = arith.constant 0 : i32
    %dma_wait3A_1065 = tpu.memref_slice %arg3[%dma_wait3A_1062, %dma_wait3A_1063, %dma_wait3A_1064] : memref<4x128x2048xf32, #tpu.memory_space<vmem_shared>> -> memref<1x128x2048xf32, #tpu.memory_space<vmem_shared>>
    %dma_wait3A_1066 = tpu.memref_squeeze %dma_wait3A_1065 : memref<1x128x2048xf32, #tpu.memory_space<vmem_shared>> -> memref<128x2048xf32, #tpu.memory_space<vmem_shared>>
    %dma_wait3A_1067 = arith.constant 0 : i32
    %dma_wait3A_1068 = tpu.memref_slice %arg1[%add3A_1061, %dma_wait3A_1067] : memref<8192x2048xf32, #tpu.memory_space<hbm>> -> memref<128x2048xf32, #tpu.memory_space<hbm>>
    tpu.wait_dma2 semaphore(%arg6 : memref<!tpu.dma_semaphore, #tpu.memory_space<semaphore_mem>>) src(%dma_wait3A_1068 : memref<128x2048xf32, #tpu.memory_space<hbm>>) dst(%dma_wait3A_1066 : memref<128x2048xf32, #tpu.memory_space<vmem_shared>>)
    %add3A_1069 = arith.constant 3840 : i32
    %add3A_1070 = arith.addi %mul3A_0, %add3A_1069 : i32
    %dma_start3A_1071 = arith.constant 2 : i32
    %dma_start3A_1072 = arith.constant 0 : i32
    %dma_start3A_1073 = tpu.memref_slice %arg2[%add3A_1070, %dma_start3A_1072] : memref<8192x2048xf32, #tpu.memory_space<hbm>> -> memref<128x2048xf32, #tpu.memory_space<hbm>>
    %dma_start3A_1074 = arith.constant 0 : i32
    %dma_start3A_1075 = arith.constant 0 : i32
    %dma_start3A_1076 = tpu.memref_slice %arg3[%dma_start3A_1071, %dma_start3A_1074, %dma_start3A_1075] : memref<4x128x2048xf32, #tpu.memory_space<vmem_shared>> -> memref<1x128x2048xf32, #tpu.memory_space<vmem_shared>>
    %dma_start3A_1077 = tpu.memref_squeeze %dma_start3A_1076 : memref<1x128x2048xf32, #tpu.memory_space<vmem_shared>> -> memref<128x2048xf32, #tpu.memory_space<vmem_shared>>
    tpu.enqueue_dma source(%dma_start3A_1077 : memref<128x2048xf32, #tpu.memory_space<vmem_shared>>) target(%dma_start3A_1073 : memref<128x2048xf32, #tpu.memory_space<hbm>>) target_semaphore(%arg10 : memref<!tpu.dma_semaphore, #tpu.memory_space<semaphore_mem>>)
    %add3A_1078 = arith.constant 3456 : i32
    %add3A_1079 = arith.addi %mul3A_0, %add3A_1078 : i32
    %dma_wait3A_1080 = arith.constant 3 : i32
    %dma_wait3A_1081 = arith.constant 0 : i32
    %dma_wait3A_1082 = tpu.memref_slice %arg2[%add3A_1079, %dma_wait3A_1081] : memref<8192x2048xf32, #tpu.memory_space<hbm>> -> memref<128x2048xf32, #tpu.memory_space<hbm>>
    %dma_wait3A_1083 = arith.constant 0 : i32
    %dma_wait3A_1084 = arith.constant 0 : i32
    %dma_wait3A_1085 = tpu.memref_slice %arg3[%dma_wait3A_1080, %dma_wait3A_1083, %dma_wait3A_1084] : memref<4x128x2048xf32, #tpu.memory_space<vmem_shared>> -> memref<1x128x2048xf32, #tpu.memory_space<vmem_shared>>
    %dma_wait3A_1086 = tpu.memref_squeeze %dma_wait3A_1085 : memref<1x128x2048xf32, #tpu.memory_space<vmem_shared>> -> memref<128x2048xf32, #tpu.memory_space<vmem_shared>>
    tpu.wait_dma2 semaphore(%arg11 : memref<!tpu.dma_semaphore, #tpu.memory_space<semaphore_mem>>) src(%dma_wait3A_1086 : memref<128x2048xf32, #tpu.memory_space<vmem_shared>>) dst(%dma_wait3A_1082 : memref<128x2048xf32, #tpu.memory_space<hbm>>)
    %add3A_1087 = arith.constant 3968 : i32
    %add3A_1088 = arith.addi %mul3A_0, %add3A_1087 : i32
    %dma_start3A_1089 = arith.constant 3 : i32
    %dma_start3A_1090 = arith.constant 0 : i32
    %dma_start3A_1091 = arith.constant 0 : i32
    %dma_start3A_1092 = tpu.memref_slice %arg3[%dma_start3A_1089, %dma_start3A_1090, %dma_start3A_1091] : memref<4x128x2048xf32, #tpu.memory_space<vmem_shared>> -> memref<1x128x2048xf32, #tpu.memory_space<vmem_shared>>
    %dma_start3A_1093 = tpu.memref_squeeze %dma_start3A_1092 : memref<1x128x2048xf32, #tpu.memory_space<vmem_shared>> -> memref<128x2048xf32, #tpu.memory_space<vmem_shared>>
    %dma_start3A_1094 = arith.constant 0 : i32
    %dma_start3A_1095 = tpu.memref_slice %arg1[%add3A_1088, %dma_start3A_1094] : memref<8192x2048xf32, #tpu.memory_space<hbm>> -> memref<128x2048xf32, #tpu.memory_space<hbm>>
    tpu.enqueue_dma source(%dma_start3A_1095 : memref<128x2048xf32, #tpu.memory_space<hbm>>) target(%dma_start3A_1093 : memref<128x2048xf32, #tpu.memory_space<vmem_shared>>) target_semaphore(%arg7 : memref<!tpu.dma_semaphore, #tpu.memory_space<semaphore_mem>>)
    %add3A_1096 = arith.constant 3968 : i32
    %add3A_1097 = arith.addi %mul3A_0, %add3A_1096 : i32
    %dma_wait3A_1098 = arith.constant 3 : i32
    %dma_wait3A_1099 = arith.constant 0 : i32
    %dma_wait3A_1100 = arith.constant 0 : i32
    %dma_wait3A_1101 = tpu.memref_slice %arg3[%dma_wait3A_1098, %dma_wait3A_1099, %dma_wait3A_1100] : memref<4x128x2048xf32, #tpu.memory_space<vmem_shared>> -> memref<1x128x2048xf32, #tpu.memory_space<vmem_shared>>
    %dma_wait3A_1102 = tpu.memref_squeeze %dma_wait3A_1101 : memref<1x128x2048xf32, #tpu.memory_space<vmem_shared>> -> memref<128x2048xf32, #tpu.memory_space<vmem_shared>>
    %dma_wait3A_1103 = arith.constant 0 : i32
    %dma_wait3A_1104 = tpu.memref_slice %arg1[%add3A_1097, %dma_wait3A_1103] : memref<8192x2048xf32, #tpu.memory_space<hbm>> -> memref<128x2048xf32, #tpu.memory_space<hbm>>
    tpu.wait_dma2 semaphore(%arg7 : memref<!tpu.dma_semaphore, #tpu.memory_space<semaphore_mem>>) src(%dma_wait3A_1104 : memref<128x2048xf32, #tpu.memory_space<hbm>>) dst(%dma_wait3A_1102 : memref<128x2048xf32, #tpu.memory_space<vmem_shared>>)
    %add3A_1105 = arith.constant 3968 : i32
    %add3A_1106 = arith.addi %mul3A_0, %add3A_1105 : i32
    %dma_start3A_1107 = arith.constant 3 : i32
    %dma_start3A_1108 = arith.constant 0 : i32
    %dma_start3A_1109 = tpu.memref_slice %arg2[%add3A_1106, %dma_start3A_1108] : memref<8192x2048xf32, #tpu.memory_space<hbm>> -> memref<128x2048xf32, #tpu.memory_space<hbm>>
    %dma_start3A_1110 = arith.constant 0 : i32
    %dma_start3A_1111 = arith.constant 0 : i32
    %dma_start3A_1112 = tpu.memref_slice %arg3[%dma_start3A_1107, %dma_start3A_1110, %dma_start3A_1111] : memref<4x128x2048xf32, #tpu.memory_space<vmem_shared>> -> memref<1x128x2048xf32, #tpu.memory_space<vmem_shared>>
    %dma_start3A_1113 = tpu.memref_squeeze %dma_start3A_1112 : memref<1x128x2048xf32, #tpu.memory_space<vmem_shared>> -> memref<128x2048xf32, #tpu.memory_space<vmem_shared>>
    tpu.enqueue_dma source(%dma_start3A_1113 : memref<128x2048xf32, #tpu.memory_space<vmem_shared>>) target(%dma_start3A_1109 : memref<128x2048xf32, #tpu.memory_space<hbm>>) target_semaphore(%arg11 : memref<!tpu.dma_semaphore, #tpu.memory_space<semaphore_mem>>)
    %add3A_1114 = arith.constant 3584 : i32
    %add3A_1115 = arith.addi %mul3A_0, %add3A_1114 : i32
    %dma_wait3A_1116 = arith.constant 0 : i32
    %dma_wait3A_1117 = arith.constant 0 : i32
    %dma_wait3A_1118 = tpu.memref_slice %arg2[%add3A_1115, %dma_wait3A_1117] : memref<8192x2048xf32, #tpu.memory_space<hbm>> -> memref<128x2048xf32, #tpu.memory_space<hbm>>
    %dma_wait3A_1119 = arith.constant 0 : i32
    %dma_wait3A_1120 = arith.constant 0 : i32
    %dma_wait3A_1121 = tpu.memref_slice %arg3[%dma_wait3A_1116, %dma_wait3A_1119, %dma_wait3A_1120] : memref<4x128x2048xf32, #tpu.memory_space<vmem_shared>> -> memref<1x128x2048xf32, #tpu.memory_space<vmem_shared>>
    %dma_wait3A_1122 = tpu.memref_squeeze %dma_wait3A_1121 : memref<1x128x2048xf32, #tpu.memory_space<vmem_shared>> -> memref<128x2048xf32, #tpu.memory_space<vmem_shared>>
    tpu.wait_dma2 semaphore(%arg8 : memref<!tpu.dma_semaphore, #tpu.memory_space<semaphore_mem>>) src(%dma_wait3A_1122 : memref<128x2048xf32, #tpu.memory_space<vmem_shared>>) dst(%dma_wait3A_1118 : memref<128x2048xf32, #tpu.memory_space<hbm>>)
    %add3A_1123 = arith.constant 3712 : i32
    %add3A_1124 = arith.addi %mul3A_0, %add3A_1123 : i32
    %dma_wait3A_1125 = arith.constant 1 : i32
    %dma_wait3A_1126 = arith.constant 0 : i32
    %dma_wait3A_1127 = tpu.memref_slice %arg2[%add3A_1124, %dma_wait3A_1126] : memref<8192x2048xf32, #tpu.memory_space<hbm>> -> memref<128x2048xf32, #tpu.memory_space<hbm>>
    %dma_wait3A_1128 = arith.constant 0 : i32
    %dma_wait3A_1129 = arith.constant 0 : i32
    %dma_wait3A_1130 = tpu.memref_slice %arg3[%dma_wait3A_1125, %dma_wait3A_1128, %dma_wait3A_1129] : memref<4x128x2048xf32, #tpu.memory_space<vmem_shared>> -> memref<1x128x2048xf32, #tpu.memory_space<vmem_shared>>
    %dma_wait3A_1131 = tpu.memref_squeeze %dma_wait3A_1130 : memref<1x128x2048xf32, #tpu.memory_space<vmem_shared>> -> memref<128x2048xf32, #tpu.memory_space<vmem_shared>>
    tpu.wait_dma2 semaphore(%arg9 : memref<!tpu.dma_semaphore, #tpu.memory_space<semaphore_mem>>) src(%dma_wait3A_1131 : memref<128x2048xf32, #tpu.memory_space<vmem_shared>>) dst(%dma_wait3A_1127 : memref<128x2048xf32, #tpu.memory_space<hbm>>)
    %add3A_1132 = arith.constant 3840 : i32
    %add3A_1133 = arith.addi %mul3A_0, %add3A_1132 : i32
    %dma_wait3A_1134 = arith.constant 2 : i32
    %dma_wait3A_1135 = arith.constant 0 : i32
    %dma_wait3A_1136 = tpu.memref_slice %arg2[%add3A_1133, %dma_wait3A_1135] : memref<8192x2048xf32, #tpu.memory_space<hbm>> -> memref<128x2048xf32, #tpu.memory_space<hbm>>
    %dma_wait3A_1137 = arith.constant 0 : i32
    %dma_wait3A_1138 = arith.constant 0 : i32
    %dma_wait3A_1139 = tpu.memref_slice %arg3[%dma_wait3A_1134, %dma_wait3A_1137, %dma_wait3A_1138] : memref<4x128x2048xf32, #tpu.memory_space<vmem_shared>> -> memref<1x128x2048xf32, #tpu.memory_space<vmem_shared>>
    %dma_wait3A_1140 = tpu.memref_squeeze %dma_wait3A_1139 : memref<1x128x2048xf32, #tpu.memory_space<vmem_shared>> -> memref<128x2048xf32, #tpu.memory_space<vmem_shared>>
    tpu.wait_dma2 semaphore(%arg10 : memref<!tpu.dma_semaphore, #tpu.memory_space<semaphore_mem>>) src(%dma_wait3A_1140 : memref<128x2048xf32, #tpu.memory_space<vmem_shared>>) dst(%dma_wait3A_1136 : memref<128x2048xf32, #tpu.memory_space<hbm>>)
    %add3A_1141 = arith.constant 3968 : i32
    %add3A_1142 = arith.addi %mul3A_0, %add3A_1141 : i32
    %dma_wait3A_1143 = arith.constant 3 : i32
    %dma_wait3A_1144 = arith.constant 0 : i32
    %dma_wait3A_1145 = tpu.memref_slice %arg2[%add3A_1142, %dma_wait3A_1144] : memref<8192x2048xf32, #tpu.memory_space<hbm>> -> memref<128x2048xf32, #tpu.memory_space<hbm>>
    %dma_wait3A_1146 = arith.constant 0 : i32
    %dma_wait3A_1147 = arith.constant 0 : i32
    %dma_wait3A_1148 = tpu.memref_slice %arg3[%dma_wait3A_1143, %dma_wait3A_1146, %dma_wait3A_1147] : memref<4x128x2048xf32, #tpu.memory_space<vmem_shared>> -> memref<1x128x2048xf32, #tpu.memory_space<vmem_shared>>
    %dma_wait3A_1149 = tpu.memref_squeeze %dma_wait3A_1148 : memref<1x128x2048xf32, #tpu.memory_space<vmem_shared>> -> memref<128x2048xf32, #tpu.memory_space<vmem_shared>>
    tpu.wait_dma2 semaphore(%arg11 : memref<!tpu.dma_semaphore, #tpu.memory_space<semaphore_mem>>) src(%dma_wait3A_1149 : memref<128x2048xf32, #tpu.memory_space<vmem_shared>>) dst(%dma_wait3A_1145 : memref<128x2048xf32, #tpu.memory_space<hbm>>)
    return
  }
}

</mosaic_0001>

<sc_bundles>
// kernel: kernel.3.cloned.1.call-start
scs
__scs_entry_jumppad:
0x0: {  	(pc) =	sbr.rel $0x88, $3  }
0x1: {  	(tag) =	ssettag $0x0;
	lr =	simm.s32 $0x1  }
0x2: {  	[smem:$0x3FA0] =	sst lr;
	_ =	strace $0xD0000000  }
0x3: {  	_ = 	snop  }
0x4: {  	_ = 	snop  }
0x5: {  	_ = 	snop  }
0x6: {  	_ = 	snop  }
0x7: {  	_ = 	snop  }
__scs_overlays_trampoline_lowered:
0x8: {  	[smem:$0x3FAF] =	sst s0  }
0x9: {  	[smem:$0x3FB0] =	sst s1  }
0xa: {  	[smem:$0x3FB1] =	sst s2  }
0xb: {  	[smem:$0x3FB2] =	sst s3  }
0xc: {  	[smem:$0x3FB3] =	sst s4  }
0xd: {  	[smem:$0x3FB4] =	sst s5  }
0xe: {  	[smem:$0x3FB5] =	sst s6  }
0xf: {  	[smem:$0x3FB6] =	sst s7  }
0x10: {  	[smem:$0x3FB7] =	sst s8  }
0x11: {  	[smem:$0x3FB8] =	sst s9;
	s0 =	simm.s32 @!p0 $0x0  }
0x12: {  	s1 =	sld [smem:$0x3F9E];
	s0 =	simm.s32 @p0 $0x1  }
0x13: {  	[smem:$0x3FB9] =	sst s0;
	s0 =	simm.s32 @!p1 $0x0  }
0x14: {  	s2 =	sld [smem:$0x3F9D];
	s0 =	simm.s32 @p1 $0x1  }
0x15: {  	[smem:$0x3FBA] =	sst s0;
	s0 =	simm.s32 @!p2 $0x0  }
0x16: {  	s3 =	sld [smem:$0x3FDB];
	s0 =	simm.s32 @p2 $0x1  }
0x17: {  	s4 =	simm.s32 $0x1BF5;
	[smem:$0x3FBC] =	sst s0  }
0x18: {  	s0 =	sld [smem:$0x3F9F];
	_ =	swait.ge [sflag:s4], $0x0  }
0x19: {  	s7 =	sld [smem:$0x3FA0]  }
0x1a: {  	s8 =	sadd.s32 $0xFFFFE003, lr  }
0x1b: {  	s9 =	sadd.s32 $0xFFFFFEF7, lr;
	s5 =	simm.s32 $0xFFFFFFFF;
	p2 =	slt.u32 s8, $0xFFFFF086  }
0x1c: {  	p1 =	slt.u32 s9, $0xF7A;
	s5 =	simm.s32 @!p2 $0x0  }
0x1d: {  	s5 =	simm.s32 @p1 $0x1;
	p0 =	seq.s32 s7, s2  }
0x1e: {  	s7 =	smul.u32 @!p0 $0xF7A, s2;
	p2 =	seq.s32 @!p0 s5, $0x0  }
0x1f: {  	s9 =	smul.u32 $0xF7A, s1;
	s8 =	simm.s32 @!p0 $0x1BF5;
	p2 =	por !p2, p0  }
0x20: {  	[sflag:s8] =	ssyncset.s32 @!p0 $0xFFFFF086;
	s6 =	sadd.s32 @!p0 s3, s7;
	s7 =	simm.s32 @!p0 $0x108  }
0x21: {  	s3 =	sadd.s32 s3, s9;
	s6 =	sadd.s32 @!p0 $0x88, s6;
	s7 =	simm.s32 @p2 $0x1082  }
0x22: {  	[simem:s7], [sflag:s8] =	dma.local @!p0 [hbm:s6], $0xF7A  }
0x23: {  	s9 =	sor.u32 $0xD0000000, s2;
	s6 =	simm.s32 $0x108;
	_ =	swait.ge @!p0 [sflag:s8], $0x0  }
0x24: {  	s3 =	sadd.s32 $0x88, s3;
	s6 =	simm.s32 @!p1 $0x1082;
	[sflag:s4] =	ssyncset.s32 $0xFFFFF086  }
0x25: {  	[simem:s6], [sflag:s4] =	dma.local [hbm:s3], $0xF7A  }
0x26: {  	[smem:$0x3FA0] =	sst s1;
	(tag) =	ssettag s2;
	_ =	strace s9  }
0x27: {  	s1 =	sld [smem:$0x3FB0]  }
0x28: {  	s2 =	sld [smem:$0x3FB1]  }
0x29: {  	s4 =	sld [smem:$0x3FB3]  }
0x2a: {  	p0 =	seq.s32 s5, $0x0;
	s5 =	sld [smem:$0x3FB4]  }
0x2b: {  	s6 =	sld [smem:$0x3FB5]  }
0x2c: {  	s7 =	sld [smem:$0x3FB6]  }
0x2d: {  	s3 =	simm.s32 $0x108;
	s8 =	sld [smem:$0x3FB7]  }
0x2e: {  	s3 =	simm.s32 @!p0 $0x1082;
	s9 =	sld [smem:$0x3FB8]  }
0x2f: {  	lr =	sadd.s32 s0, s3;
	s0 =	sld [smem:$0x3FAF]  }
0x30: {  	s3 =	sld [smem:$0x3FB2]  }
0x31: {  	[smem:$0x3FBB] =	sst s10  }
0x32: {  	s10 =	sld [smem:$0x3FB9];
	_ =	sdelay $0x3  }
0x33: {  	p0 =	seq.s32 s10, $0x1;
	s10 =	sld [smem:$0x3FBB];
	_ =	sdelay $0x3  }
0x34: {  	[smem:$0x3FBB] =	sst s10  }
0x35: {  	s10 =	sld [smem:$0x3FBA];
	_ =	sdelay $0x3  }
0x36: {  	p1 =	seq.s32 s10, $0x1;
	s10 =	sld [smem:$0x3FBB];
	_ =	sdelay $0x3  }
0x37: {  	[smem:$0x3FBB] =	sst s10  }
0x38: {  	s10 =	sld [smem:$0x3FBC]  }
0x39: {  	_ = 	snop;
	(pc) =	sbr.ind lr, $3  }
0x3a: {  	_ = 	snop  }
0x3b: {  	_ = 	snop  }
0x3c: {  	p2 =	seq.s32 s10, $0x1;
	s10 =	sld [smem:$0x3FBB]  }
0x3d: {  	_ =	shalt  }
0x3e: {  	_ =	shalt  }
0x3f: {  	_ =	shalt  }
0x40: {  	_ =	shalt  }
0x41: {  	_ =	shalt  }
0x42: {  	_ =	shalt  }
0x43: {  	_ =	shalt  }
0x44: {  	_ =	shalt  }
0x45: {  	_ =	shalt  }
0x46: {  	_ =	shalt  }
0x47: {  	_ =	shalt  }
0x48: {  	_ =	shalt  }
0x49: {  	_ =	shalt  }
0x4a: {  	_ =	shalt  }
0x4b: {  	_ =	shalt  }
0x4c: {  	_ =	shalt  }
0x4d: {  	_ =	shalt  }
0x4e: {  	_ =	shalt  }
0x4f: {  	_ =	shalt  }
0x50: {  	_ =	shalt  }
0x51: {  	_ =	shalt  }
0x52: {  	_ =	shalt  }
0x53: {  	_ =	shalt  }
0x54: {  	_ =	shalt  }
0x55: {  	_ =	shalt  }
0x56: {  	_ =	shalt  }
0x57: {  	_ =	shalt  }
0x58: {  	_ =	shalt  }
0x59: {  	_ =	shalt  }
0x5a: {  	_ =	shalt  }
0x5b: {  	_ =	shalt  }
0x5c: {  	_ =	shalt  }
0x5d: {  	_ =	shalt  }
0x5e: {  	_ =	shalt  }
0x5f: {  	_ =	shalt  }
0x60: {  	_ =	shalt  }
0x61: {  	_ =	shalt  }
0x62: {  	_ =	shalt  }
0x63: {  	_ =	shalt  }
0x64: {  	_ =	shalt  }
0x65: {  	_ =	shalt  }
0x66: {  	_ =	shalt  }
0x67: {  	_ =	shalt  }
0x68: {  	_ =	shalt  }
0x69: {  	_ =	shalt  }
0x6a: {  	_ =	shalt  }
0x6b: {  	_ =	shalt  }
0x6c: {  	_ =	shalt  }
0x6d: {  	_ =	shalt  }
0x6e: {  	_ =	shalt  }
0x6f: {  	_ =	shalt  }
0x70: {  	_ =	shalt  }
0x71: {  	_ =	shalt  }
0x72: {  	_ =	shalt  }
0x73: {  	_ =	shalt  }
0x74: {  	_ =	shalt  }
0x75: {  	_ =	shalt  }
0x76: {  	_ =	shalt  }
0x77: {  	_ =	shalt  }
0x78: {  	_ =	shalt  }
0x79: {  	_ =	shalt  }
0x7a: {  	_ =	shalt  }
0x7b: {  	_ =	shalt  }
0x7c: {  	_ =	shalt  }
0x7d: {  	_ =	shalt  }
0x7e: {  	_ =	shalt  }
0x7f: {  	_ =	shalt  }
0x80: {  	_ =	shalt  }
0x81: {  	_ =	shalt  }
0x82: {  	_ =	shalt  }
0x83: {  	_ =	shalt  }
0x84: {  	_ =	shalt  }
0x85: {  	_ =	shalt  }
0x86: {  	_ =	shalt  }
0x87: {  	_ =	shalt  }
.Lfunc_end0:
.L_simem_size_0:
called_computation_lowered:
.L_overlay_start_0:
0x88: {  	s2 =	sld [smem:$0x3FD9]  }
0x89: {  	s3 =	sld [smem:$0x3FFE];
	_ =	sdelay $0x1  }
0x8a: {  	s1 =	srdreg.scid  }
0x8b: {  	s0 =	sand.u32 $0x1, s1  }
0x8c: {  	s15 =	sshll.u32 s0, $0xA;
	s2 =	sadd.s32 s3, s2  }
0x8d: {  	s2 =	sadd.s32 s2, s15  }
0x8e: {  	s5 =	simm.s32 $0x0;
	[smem:$0x3FC7] =	sst s2  }
0x8f: {  	[smem:$0xF] =	sst s5  }
0x90: {  	s3 =	sld [smem:$0x3FC9]  }
0x91: {  	s2 =	sld [smem:$0x3FD0];
	(tm) =	ssettm $0x1  }
0x92: {  	s4 =	sld [smem:$0x3FFB];
	_ =	sdelay $0x3  }
0x93: {  	_ =	strace s4  }
0x94: {  	s4 =	sld [smem:$0x3FFC];
	_ =	sdelay $0x3  }
0x95: {  	_ =	strace s4  }
0x96: {  	s4 =	sld [smem:$0x3FFD];
	_ =	sdelay $0x3  }
0x97: {  	s16 =	simm.s32 $0x1B8B;
	s17 =	simm.s32 $0x1B8E;
	_ =	strace s4  }
0x98: {  	s13 =	simm.s32 $0x8000;
	s11 =	simm.s32 $0xB;
	_ =	strace $0x8FFFFFFF  }
0x99: {  	s9 =	simm.s32 $0x10000;
	s7 =	simm.s32 $0xC;
	_ =	swait.ge [sflag:s16], $0x1  }
0x9a: {  	s15 =	simm.s32 $0xA;
	s4 =	sshll.u32 s0, $0x14;
	[sflag:s16] =	ssyncset.done $0x0  }
0x9b: {  	s6 =	sadd.s32 s4, s3;
	s10 =	sor.u32 $0x8000, s4;
	[sflag:s16] =	ssyncadd.s32 $0xFFFFFFFF  }
0x9c: {  	s12 =	sor.u32 $0x10000, s4;
	s14 =	sor.u32 $0x18000, s4;
	[smem:$0x3FD2] =	sst s17  }
0x9d: {  	s18 =	sadd.s32 s10, s3;
	s16 =	simm.s32 $0x9;
	_ =	strace $0x80000046  }
0x9e: {  	[spmem:s5], [sflag:s16] =	dma.local [hbm:s6], $0x8000  }
0x9f: {  	s19 =	sadd.s32 s12, s3;
	s8 =	sadd.s32 s14, s3;
	s6 =	simm.s32 $0x18000  }
0xa0: {  	[spmem:s13], [sflag:s15] =	dma.local [hbm:s18], $0x8000  }
0xa1: {  	[spmem:s9], [sflag:s11] =	dma.local [hbm:s19], $0x8000  }
0xa2: {  	[spmem:s6], [sflag:s7] =	dma.local [hbm:s8], $0x8000  }
0xa3: {  	_ =	swait.ge [sflag:s16], $0x8000  }
0xa4: {  	[sflag:s16] =	ssyncset.done $0x0  }
0xa5: {  	[sflag:s16] =	ssyncadd.s32 $0xFFFF8000  }
0xa6: {  	s17 =	sadd.s32 s4, s2;
	s8 =	simm.s32 $0xD  }
0xa7: {  	[hbm:s17], [sflag:s8] =	dma.local [spmem:s5], $0x8000  }
0xa8: {  	_ =	swait.ge [sflag:s15], $0x8000  }
0xa9: {  	[sflag:s15] =	ssyncset.done $0x0  }
0xaa: {  	[sflag:s15] =	ssyncadd.s32 $0xFFFF8000  }
0xab: {  	s20 =	sadd.s32 s10, s2;
	s10 =	simm.s32 $0xE  }
0xac: {  	[hbm:s20], [sflag:s10] =	dma.local [spmem:s13], $0x8000  }
0xad: {  	_ =	swait.ge [sflag:s11], $0x8000  }
0xae: {  	[sflag:s11] =	ssyncset.done $0x0  }
0xaf: {  	[sflag:s11] =	ssyncadd.s32 $0xFFFF8000  }
0xb0: {  	s21 =	sadd.s32 s12, s2;
	s12 =	simm.s32 $0xF  }
0xb1: {  	[hbm:s21], [sflag:s12] =	dma.local [spmem:s9], $0x8000  }
0xb2: {  	_ =	swait.ge [sflag:s7], $0x8000  }
0xb3: {  	[sflag:s7] =	ssyncset.done $0x0  }
0xb4: {  	[sflag:s7] =	ssyncadd.s32 $0xFFFF8000  }
0xb5: {  	s22 =	sadd.s32 s14, s2;
	s14 =	simm.s32 $0x10  }
0xb6: {  	[hbm:s22], [sflag:s14] =	dma.local [spmem:s6], $0x8000  }
0xb7: {  	_ =	swait.ge [sflag:s8], $0x8000  }
0xb8: {  	[sflag:s8] =	ssyncset.done $0x0  }
0xb9: {  	s23 =	sor.u32 $0x20000, s4;
	[sflag:s8] =	ssyncadd.s32 $0xFFFF8000  }
0xba: {  	s18 =	sadd.s32 s23, s3  }
0xbb: {  	[spmem:s5], [sflag:s16] =	dma.local [hbm:s18], $0x8000  }
0xbc: {  	_ =	swait.ge [sflag:s16], $0x8000  }
0xbd: {  	[sflag:s16] =	ssyncset.done $0x0  }
0xbe: {  	[sflag:s16] =	ssyncadd.s32 $0xFFFF8000  }
0xbf: {  	s17 =	sadd.s32 s23, s2  }
0xc0: {  	[hbm:s17], [sflag:s8] =	dma.local [spmem:s5], $0x8000  }
0xc1: {  	_ =	swait.ge [sflag:s10], $0x8000  }
0xc2: {  	[sflag:s10] =	ssyncset.done $0x0  }
0xc3: {  	s24 =	sor.u32 $0x28000, s4;
	[sflag:s10] =	ssyncadd.s32 $0xFFFF8000  }
0xc4: {  	s25 =	sadd.s32 s24, s3  }
0xc5: {  	[spmem:s13], [sflag:s15] =	dma.local [hbm:s25], $0x8000  }
0xc6: {  	_ =	swait.ge [sflag:s15], $0x8000  }
0xc7: {  	[sflag:s15] =	ssyncset.done $0x0  }
0xc8: {  	[sflag:s15] =	ssyncadd.s32 $0xFFFF8000  }
0xc9: {  	s17 =	sadd.s32 s24, s2  }
0xca: {  	[hbm:s17], [sflag:s10] =	dma.local [spmem:s13], $0x8000  }
0xcb: {  	_ =	swait.ge [sflag:s12], $0x8000  }
0xcc: {  	[sflag:s12] =	ssyncset.done $0x0  }
0xcd: {  	s26 =	sor.u32 $0x30000, s4;
	[sflag:s12] =	ssyncadd.s32 $0xFFFF8000  }
0xce: {  	s28 =	sadd.s32 s26, s3  }
0xcf: {  	[spmem:s9], [sflag:s11] =	dma.local [hbm:s28], $0x8000  }
0xd0: {  	_ =	swait.ge [sflag:s11], $0x8000  }
0xd1: {  	[sflag:s11] =	ssyncset.done $0x0  }
0xd2: {  	[sflag:s11] =	ssyncadd.s32 $0xFFFF8000  }
0xd3: {  	s17 =	sadd.s32 s26, s2  }
0xd4: {  	[hbm:s17], [sflag:s12] =	dma.local [spmem:s9], $0x8000  }
0xd5: {  	_ =	swait.ge [sflag:s14], $0x8000  }
0xd6: {  	[sflag:s14] =	ssyncset.done $0x0  }
0xd7: {  	s29 =	sor.u32 $0x38000, s4;
	[sflag:s14] =	ssyncadd.s32 $0xFFFF8000  }
0xd8: {  	s30 =	sadd.s32 s29, s3  }
0xd9: {  	[spmem:s6], [sflag:s7] =	dma.local [hbm:s30], $0x8000  }
0xda: {  	_ =	swait.ge [sflag:s7], $0x8000  }
0xdb: {  	[sflag:s7] =	ssyncset.done $0x0  }
0xdc: {  	[sflag:s7] =	ssyncadd.s32 $0xFFFF8000  }
0xdd: {  	s17 =	sadd.s32 s29, s2  }
0xde: {  	[hbm:s17], [sflag:s14] =	dma.local [spmem:s6], $0x8000  }
0xdf: {  	_ =	swait.ge [sflag:s8], $0x8000  }
0xe0: {  	[sflag:s8] =	ssyncset.done $0x0  }
0xe1: {  	s31 =	sor.u32 $0x40000, s4;
	[sflag:s8] =	ssyncadd.s32 $0xFFFF8000  }
0xe2: {  	s19 =	sadd.s32 s31, s3  }
0xe3: {  	[spmem:s5], [sflag:s16] =	dma.local [hbm:s19], $0x8000  }
0xe4: {  	_ =	swait.ge [sflag:s16], $0x8000  }
0xe5: {  	[sflag:s16] =	ssyncset.done $0x0  }
0xe6: {  	[sflag:s16] =	ssyncadd.s32 $0xFFFF8000  }
0xe7: {  	s17 =	sadd.s32 s31, s2  }
0xe8: {  	[hbm:s17], [sflag:s8] =	dma.local [spmem:s5], $0x8000  }
0xe9: {  	_ =	swait.ge [sflag:s10], $0x8000  }
0xea: {  	[sflag:s10] =	ssyncset.done $0x0  }
0xeb: {  	s20 =	sor.u32 $0x48000, s4;
	[sflag:s10] =	ssyncadd.s32 $0xFFFF8000  }
0xec: {  	s21 =	sadd.s32 s20, s3  }
0xed: {  	[spmem:s13], [sflag:s15] =	dma.local [hbm:s21], $0x8000  }
0xee: {  	_ =	swait.ge [sflag:s15], $0x8000  }
0xef: {  	[sflag:s15] =	ssyncset.done $0x0  }
0xf0: {  	[sflag:s15] =	ssyncadd.s32 $0xFFFF8000  }
0xf1: {  	s17 =	sadd.s32 s20, s2  }
0xf2: {  	[hbm:s17], [sflag:s10] =	dma.local [spmem:s13], $0x8000  }
0xf3: {  	_ =	swait.ge [sflag:s12], $0x8000  }
0xf4: {  	[sflag:s12] =	ssyncset.done $0x0  }
0xf5: {  	s22 =	sor.u32 $0x50000, s4;
	[sflag:s12] =	ssyncadd.s32 $0xFFFF8000  }
0xf6: {  	s23 =	sadd.s32 s22, s3  }
0xf7: {  	[spmem:s9], [sflag:s11] =	dma.local [hbm:s23], $0x8000  }
0xf8: {  	_ =	swait.ge [sflag:s11], $0x8000  }
0xf9: {  	[sflag:s11] =	ssyncset.done $0x0  }
0xfa: {  	[sflag:s11] =	ssyncadd.s32 $0xFFFF8000  }
0xfb: {  	s17 =	sadd.s32 s22, s2  }
0xfc: {  	[hbm:s17], [sflag:s12] =	dma.local [spmem:s9], $0x8000  }
0xfd: {  	_ =	swait.ge [sflag:s14], $0x8000  }
0xfe: {  	[sflag:s14] =	ssyncset.done $0x0  }
0xff: {  	s24 =	sor.u32 $0x58000, s4;
	[sflag:s14] =	ssyncadd.s32 $0xFFFF8000  }
0x100: {  	s25 =	sadd.s32 s24, s3  }
0x101: {  	[spmem:s6], [sflag:s7] =	dma.local [hbm:s25], $0x8000  }
0x102: {  	_ =	swait.ge [sflag:s7], $0x8000  }
0x103: {  	[sflag:s7] =	ssyncset.done $0x0  }
0x104: {  	[sflag:s7] =	ssyncadd.s32 $0xFFFF8000  }
0x105: {  	s17 =	sadd.s32 s24, s2  }
0x106: {  	[hbm:s17], [sflag:s14] =	dma.local [spmem:s6], $0x8000  }
0x107: {  	_ =	swait.ge [sflag:s8], $0x8000  }
0x108: {  	[sflag:s8] =	ssyncset.done $0x0  }
0x109: {  	s26 =	sor.u32 $0x60000, s4;
	[sflag:s8] =	ssyncadd.s32 $0xFFFF8000  }
0x10a: {  	s28 =	sadd.s32 s26, s3  }
0x10b: {  	[spmem:s5], [sflag:s16] =	dma.local [hbm:s28], $0x8000  }
0x10c: {  	_ =	swait.ge [sflag:s16], $0x8000  }
0x10d: {  	[sflag:s16] =	ssyncset.done $0x0  }
0x10e: {  	[sflag:s16] =	ssyncadd.s32 $0xFFFF8000  }
0x10f: {  	s17 =	sadd.s32 s26, s2  }
0x110: {  	[hbm:s17], [sflag:s8] =	dma.local [spmem:s5], $0x8000  }
0x111: {  	_ =	swait.ge [sflag:s10], $0x8000  }
0x112: {  	[sflag:s10] =	ssyncset.done $0x0  }
0x113: {  	s29 =	sor.u32 $0x68000, s4;
	[sflag:s10] =	ssyncadd.s32 $0xFFFF8000  }
0x114: {  	s30 =	sadd.s32 s29, s3  }
0x115: {  	[spmem:s13], [sflag:s15] =	dma.local [hbm:s30], $0x8000  }
0x116: {  	_ =	swait.ge [sflag:s15], $0x8000  }
0x117: {  	[sflag:s15] =	ssyncset.done $0x0  }
0x118: {  	[sflag:s15] =	ssyncadd.s32 $0xFFFF8000  }
0x119: {  	s17 =	sadd.s32 s29, s2  }
0x11a: {  	[hbm:s17], [sflag:s10] =	dma.local [spmem:s13], $0x8000  }
0x11b: {  	_ =	swait.ge [sflag:s12], $0x8000  }
0x11c: {  	[sflag:s12] =	ssyncset.done $0x0  }
0x11d: {  	s31 =	sor.u32 $0x70000, s4;
	[sflag:s12] =	ssyncadd.s32 $0xFFFF8000  }
0x11e: {  	s19 =	sadd.s32 s31, s3  }
0x11f: {  	[spmem:s9], [sflag:s11] =	dma.local [hbm:s19], $0x8000  }
0x120: {  	_ =	swait.ge [sflag:s11], $0x8000  }
0x121: {  	[sflag:s11] =	ssyncset.done $0x0  }
0x122: {  	[sflag:s11] =	ssyncadd.s32 $0xFFFF8000  }
0x123: {  	s17 =	sadd.s32 s31, s2  }
0x124: {  	[hbm:s17], [sflag:s12] =	dma.local [spmem:s9], $0x8000  }
0x125: {  	_ =	swait.ge [sflag:s14], $0x8000  }
0x126: {  	[sflag:s14] =	ssyncset.done $0x0  }
0x127: {  	s20 =	sor.u32 $0x78000, s4;
	[sflag:s14] =	ssyncadd.s32 $0xFFFF8000  }
0x128: {  	s21 =	sadd.s32 s20, s3  }
0x129: {  	[spmem:s6], [sflag:s7] =	dma.local [hbm:s21], $0x8000  }
0x12a: {  	_ =	swait.ge [sflag:s7], $0x8000  }
0x12b: {  	[sflag:s7] =	ssyncset.done $0x0  }
0x12c: {  	[sflag:s7] =	ssyncadd.s32 $0xFFFF8000  }
0x12d: {  	s17 =	sadd.s32 s20, s2  }
0x12e: {  	[hbm:s17], [sflag:s14] =	dma.local [spmem:s6], $0x8000  }
0x12f: {  	_ =	swait.ge [sflag:s8], $0x8000  }
0x130: {  	[sflag:s8] =	ssyncset.done $0x0  }
0x131: {  	s22 =	sor.u32 $0x80000, s4;
	[sflag:s8] =	ssyncadd.s32 $0xFFFF8000  }
0x132: {  	s23 =	sadd.s32 s22, s3  }
0x133: {  	[spmem:s5], [sflag:s16] =	dma.local [hbm:s23], $0x8000  }
0x134: {  	_ =	swait.ge [sflag:s16], $0x8000  }
0x135: {  	[sflag:s16] =	ssyncset.done $0x0  }
0x136: {  	[sflag:s16] =	ssyncadd.s32 $0xFFFF8000  }
0x137: {  	s17 =	sadd.s32 s22, s2  }
0x138: {  	[hbm:s17], [sflag:s8] =	dma.local [spmem:s5], $0x8000  }
0x139: {  	_ =	swait.ge [sflag:s10], $0x8000  }
0x13a: {  	[sflag:s10] =	ssyncset.done $0x0  }
0x13b: {  	s24 =	sor.u32 $0x88000, s4;
	[sflag:s10] =	ssyncadd.s32 $0xFFFF8000  }
0x13c: {  	s25 =	sadd.s32 s24, s3  }
0x13d: {  	[spmem:s13], [sflag:s15] =	dma.local [hbm:s25], $0x8000  }
0x13e: {  	_ =	swait.ge [sflag:s15], $0x8000  }
0x13f: {  	[sflag:s15] =	ssyncset.done $0x0  }
0x140: {  	[sflag:s15] =	ssyncadd.s32 $0xFFFF8000  }
0x141: {  	s17 =	sadd.s32 s24, s2  }
0x142: {  	[hbm:s17], [sflag:s10] =	dma.local [spmem:s13], $0x8000  }
0x143: {  	_ =	swait.ge [sflag:s12], $0x8000  }
0x144: {  	[sflag:s12] =	ssyncset.done $0x0  }
0x145: {  	s26 =	sor.u32 $0x90000, s4;
	[sflag:s12] =	ssyncadd.s32 $0xFFFF8000  }
0x146: {  	s28 =	sadd.s32 s26, s3  }
0x147: {  	[spmem:s9], [sflag:s11] =	dma.local [hbm:s28], $0x8000  }
0x148: {  	_ =	swait.ge [sflag:s11], $0x8000  }
0x149: {  	[sflag:s11] =	ssyncset.done $0x0  }
0x14a: {  	[sflag:s11] =	ssyncadd.s32 $0xFFFF8000  }
0x14b: {  	s17 =	sadd.s32 s26, s2  }
0x14c: {  	[hbm:s17], [sflag:s12] =	dma.local [spmem:s9], $0x8000  }
0x14d: {  	_ =	swait.ge [sflag:s14], $0x8000  }
0x14e: {  	[sflag:s14] =	ssyncset.done $0x0  }
0x14f: {  	s29 =	sor.u32 $0x98000, s4;
	[sflag:s14] =	ssyncadd.s32 $0xFFFF8000  }
0x150: {  	s30 =	sadd.s32 s29, s3  }
0x151: {  	[spmem:s6], [sflag:s7] =	dma.local [hbm:s30], $0x8000  }
0x152: {  	_ =	swait.ge [sflag:s7], $0x8000  }
0x153: {  	[sflag:s7] =	ssyncset.done $0x0  }
0x154: {  	[sflag:s7] =	ssyncadd.s32 $0xFFFF8000  }
0x155: {  	s17 =	sadd.s32 s29, s2  }
0x156: {  	[hbm:s17], [sflag:s14] =	dma.local [spmem:s6], $0x8000  }
0x157: {  	_ =	swait.ge [sflag:s8], $0x8000  }
0x158: {  	[sflag:s8] =	ssyncset.done $0x0  }
0x159: {  	s31 =	sor.u32 $0xA0000, s4;
	[sflag:s8] =	ssyncadd.s32 $0xFFFF8000  }
0x15a: {  	s19 =	sadd.s32 s31, s3  }
0x15b: {  	[spmem:s5], [sflag:s16] =	dma.local [hbm:s19], $0x8000  }
0x15c: {  	_ =	swait.ge [sflag:s16], $0x8000  }
0x15d: {  	[sflag:s16] =	ssyncset.done $0x0  }
0x15e: {  	[sflag:s16] =	ssyncadd.s32 $0xFFFF8000  }
0x15f: {  	s17 =	sadd.s32 s31, s2  }
0x160: {  	[hbm:s17], [sflag:s8] =	dma.local [spmem:s5], $0x8000  }
0x161: {  	_ =	swait.ge [sflag:s10], $0x8000  }
0x162: {  	[sflag:s10] =	ssyncset.done $0x0  }
0x163: {  	s20 =	sor.u32 $0xA8000, s4;
	[sflag:s10] =	ssyncadd.s32 $0xFFFF8000  }
0x164: {  	s21 =	sadd.s32 s20, s3  }
0x165: {  	[spmem:s13], [sflag:s15] =	dma.local [hbm:s21], $0x8000  }
0x166: {  	_ =	swait.ge [sflag:s15], $0x8000  }
0x167: {  	[sflag:s15] =	ssyncset.done $0x0  }
0x168: {  	[sflag:s15] =	ssyncadd.s32 $0xFFFF8000  }
0x169: {  	s17 =	sadd.s32 s20, s2  }
0x16a: {  	[hbm:s17], [sflag:s10] =	dma.local [spmem:s13], $0x8000  }
0x16b: {  	_ =	swait.ge [sflag:s12], $0x8000  }
0x16c: {  	[sflag:s12] =	ssyncset.done $0x0  }
0x16d: {  	s22 =	sor.u32 $0xB0000, s4;
	[sflag:s12] =	ssyncadd.s32 $0xFFFF8000  }
0x16e: {  	s23 =	sadd.s32 s22, s3  }
0x16f: {  	[spmem:s9], [sflag:s11] =	dma.local [hbm:s23], $0x8000  }
0x170: {  	_ =	swait.ge [sflag:s11], $0x8000  }
0x171: {  	[sflag:s11] =	ssyncset.done $0x0  }
0x172: {  	[sflag:s11] =	ssyncadd.s32 $0xFFFF8000  }
0x173: {  	s17 =	sadd.s32 s22, s2  }
0x174: {  	[hbm:s17], [sflag:s12] =	dma.local [spmem:s9], $0x8000  }
0x175: {  	_ =	swait.ge [sflag:s14], $0x8000  }
0x176: {  	[sflag:s14] =	ssyncset.done $0x0  }
0x177: {  	s24 =	sor.u32 $0xB8000, s4;
	[sflag:s14] =	ssyncadd.s32 $0xFFFF8000  }
0x178: {  	s25 =	sadd.s32 s24, s3  }
0x179: {  	[spmem:s6], [sflag:s7] =	dma.local [hbm:s25], $0x8000  }
0x17a: {  	_ =	swait.ge [sflag:s7], $0x8000  }
0x17b: {  	[sflag:s7] =	ssyncset.done $0x0  }
0x17c: {  	[sflag:s7] =	ssyncadd.s32 $0xFFFF8000  }
0x17d: {  	s17 =	sadd.s32 s24, s2  }
0x17e: {  	[hbm:s17], [sflag:s14] =	dma.local [spmem:s6], $0x8000  }
0x17f: {  	_ =	swait.ge [sflag:s8], $0x8000  }
0x180: {  	[sflag:s8] =	ssyncset.done $0x0  }
0x181: {  	s26 =	sor.u32 $0xC0000, s4;
	[sflag:s8] =	ssyncadd.s32 $0xFFFF8000  }
0x182: {  	s28 =	sadd.s32 s26, s3  }
0x183: {  	[spmem:s5], [sflag:s16] =	dma.local [hbm:s28], $0x8000  }
0x184: {  	_ =	swait.ge [sflag:s16], $0x8000  }
0x185: {  	[sflag:s16] =	ssyncset.done $0x0  }
0x186: {  	[sflag:s16] =	ssyncadd.s32 $0xFFFF8000  }
0x187: {  	s17 =	sadd.s32 s26, s2  }
0x188: {  	[hbm:s17], [sflag:s8] =	dma.local [spmem:s5], $0x8000  }
0x189: {  	_ =	swait.ge [sflag:s10], $0x8000  }
0x18a: {  	[sflag:s10] =	ssyncset.done $0x0  }
0x18b: {  	s29 =	sor.u32 $0xC8000, s4;
	[sflag:s10] =	ssyncadd.s32 $0xFFFF8000  }
0x18c: {  	s30 =	sadd.s32 s29, s3  }
0x18d: {  	[spmem:s13], [sflag:s15] =	dma.local [hbm:s30], $0x8000  }
0x18e: {  	_ =	swait.ge [sflag:s15], $0x8000  }
0x18f: {  	[sflag:s15] =	ssyncset.done $0x0  }
0x190: {  	[sflag:s15] =	ssyncadd.s32 $0xFFFF8000  }
0x191: {  	s17 =	sadd.s32 s29, s2  }
0x192: {  	[hbm:s17], [sflag:s10] =	dma.local [spmem:s13], $0x8000  }
0x193: {  	_ =	swait.ge [sflag:s12], $0x8000  }
0x194: {  	[sflag:s12] =	ssyncset.done $0x0  }
0x195: {  	s31 =	sor.u32 $0xD0000, s4;
	[sflag:s12] =	ssyncadd.s32 $0xFFFF8000  }
0x196: {  	s19 =	sadd.s32 s31, s3  }
0x197: {  	[spmem:s9], [sflag:s11] =	dma.local [hbm:s19], $0x8000  }
0x198: {  	_ =	swait.ge [sflag:s11], $0x8000  }
0x199: {  	[sflag:s11] =	ssyncset.done $0x0  }
0x19a: {  	[sflag:s11] =	ssyncadd.s32 $0xFFFF8000  }
0x19b: {  	s17 =	sadd.s32 s31, s2  }
0x19c: {  	[hbm:s17], [sflag:s12] =	dma.local [spmem:s9], $0x8000  }
0x19d: {  	_ =	swait.ge [sflag:s14], $0x8000  }
0x19e: {  	[sflag:s14] =	ssyncset.done $0x0  }
0x19f: {  	s20 =	sor.u32 $0xD8000, s4;
	[sflag:s14] =	ssyncadd.s32 $0xFFFF8000  }
0x1a0: {  	s21 =	sadd.s32 s20, s3  }
0x1a1: {  	[spmem:s6], [sflag:s7] =	dma.local [hbm:s21], $0x8000  }
0x1a2: {  	_ =	swait.ge [sflag:s7], $0x8000  }
0x1a3: {  	[sflag:s7] =	ssyncset.done $0x0  }
0x1a4: {  	[sflag:s7] =	ssyncadd.s32 $0xFFFF8000  }
0x1a5: {  	s17 =	sadd.s32 s20, s2  }
0x1a6: {  	[hbm:s17], [sflag:s14] =	dma.local [spmem:s6], $0x8000  }
0x1a7: {  	_ =	swait.ge [sflag:s8], $0x8000  }
0x1a8: {  	[sflag:s8] =	ssyncset.done $0x0  }
0x1a9: {  	s22 =	sor.u32 $0xE0000, s4;
	[sflag:s8] =	ssyncadd.s32 $0xFFFF8000  }
0x1aa: {  	s23 =	sadd.s32 s22, s3  }
0x1ab: {  	[spmem:s5], [sflag:s16] =	dma.local [hbm:s23], $0x8000  }
0x1ac: {  	_ =	swait.ge [sflag:s16], $0x8000  }
0x1ad: {  	[sflag:s16] =	ssyncset.done $0x0  }
0x1ae: {  	[sflag:s16] =	ssyncadd.s32 $0xFFFF8000  }
0x1af: {  	s24 =	sadd.s32 s22, s2  }
0x1b0: {  	[hbm:s24], [sflag:s8] =	dma.local [spmem:s5], $0x8000  }
0x1b1: {  	_ =	swait.ge [sflag:s10], $0x8000  }
0x1b2: {  	[sflag:s10] =	ssyncset.done $0x0  }
0x1b3: {  	s25 =	sor.u32 $0xE8000, s4;
	[sflag:s10] =	ssyncadd.s32 $0xFFFF8000  }
0x1b4: {  	s26 =	sadd.s32 s25, s3  }
0x1b5: {  	[spmem:s13], [sflag:s15] =	dma.local [hbm:s26], $0x8000  }
0x1b6: {  	_ =	swait.ge [sflag:s15], $0x8000  }
0x1b7: {  	[sflag:s15] =	ssyncset.done $0x0  }
0x1b8: {  	[sflag:s15] =	ssyncadd.s32 $0xFFFF8000  }
0x1b9: {  	s5 =	sadd.s32 s25, s2  }
0x1ba: {  	[hbm:s5], [sflag:s10] =	dma.local [spmem:s13], $0x8000  }
0x1bb: {  	_ =	swait.ge [sflag:s12], $0x8000  }
0x1bc: {  	[sflag:s12] =	ssyncset.done $0x0  }
0x1bd: {  	s28 =	sor.u32 $0xF0000, s4;
	[sflag:s12] =	ssyncadd.s32 $0xFFFF8000  }
0x1be: {  	s29 =	sadd.s32 s28, s3  }
0x1bf: {  	[spmem:s9], [sflag:s11] =	dma.local [hbm:s29], $0x8000  }
0x1c0: {  	_ =	swait.ge [sflag:s11], $0x8000  }
0x1c1: {  	[sflag:s11] =	ssyncset.done $0x0  }
0x1c2: {  	[sflag:s11] =	ssyncadd.s32 $0xFFFF8000  }
0x1c3: {  	s5 =	sadd.s32 s28, s2  }
0x1c4: {  	[hbm:s5], [sflag:s12] =	dma.local [spmem:s9], $0x8000  }
0x1c5: {  	_ =	swait.ge [sflag:s14], $0x8000  }
0x1c6: {  	[sflag:s14] =	ssyncset.done $0x0  }
0x1c7: {  	s4 =	sor.u32 $0xF8000, s4;
	[sflag:s14] =	ssyncadd.s32 $0xFFFF8000  }
0x1c8: {  	s3 =	sadd.s32 s4, s3  }
0x1c9: {  	[spmem:s6], [sflag:s7] =	dma.local [hbm:s3], $0x8000  }
0x1ca: {  	_ =	swait.ge [sflag:s7], $0x8000  }
0x1cb: {  	[sflag:s7] =	ssyncset.done $0x0  }
0x1cc: {  	[sflag:s7] =	ssyncadd.s32 $0xFFFF8000  }
0x1cd: {  	s2 =	sadd.s32 s4, s2  }
0x1ce: {  	[hbm:s2], [sflag:s14] =	dma.local [spmem:s6], $0x8000  }
0x1cf: {  	_ =	swait.ge [sflag:s8], $0x8000  }
0x1d0: {  	[sflag:s8] =	ssyncset.done $0x0  }
0x1d1: {  	[sflag:s8] =	ssyncadd.s32 $0xFFFF8000;
	_ =	sdelay $0x2  }
0x1d2: {  	_ =	swait.ge [sflag:s10], $0x8000  }
0x1d3: {  	[sflag:s10] =	ssyncset.done $0x0  }
0x1d4: {  	[sflag:s10] =	ssyncadd.s32 $0xFFFF8000;
	_ =	sdelay $0x2  }
0x1d5: {  	_ =	swait.ge [sflag:s12], $0x8000  }
0x1d6: {  	[sflag:s12] =	ssyncset.done $0x0  }
0x1d7: {  	[sflag:s12] =	ssyncadd.s32 $0xFFFF8000;
	_ =	sdelay $0x2  }
0x1d8: {  	_ =	swait.ge [sflag:s14], $0x8000  }
0x1d9: {  	[sflag:s14] =	ssyncset.done $0x0  }
0x1da: {  	[sflag:s14] =	ssyncadd.s32 $0xFFFF8000  }
0x1db: {  	_ =	strace $0x90000046  }
0x1dc: {  	_ =	sfence  }
0x1dd: {  	s30 =	sld [smem:$0x0];
	_ =	sdelay $0x2  }
0x1de: {  	s31 =	sshll.u32 s1, $0xD;
	s1 =	sshrl.u32 s1, $0x2  }
0x1df: {  	s3 =	sand.u32 $0x4000, s31;
	s1 =	sadd.s32 s1, s30  }
0x1e0: {  	s0 =	sor.u32 s3, s0;
	s1 =	sshll.u32 s1, $0x11  }
0x1e1: {  	s0 =	sor.u32 s1, s0  }
0x1e2: {  	s0 =	sadd.s32 $0x8F2B, s0;
	(pc) =	sbr.abs _section_cstart, $3  }
0x1e3: {  	[sflag:s0] =	ssyncadd.remote.s32 $0x1  }
0x1e4: {  	_ =	strace $0x9FFFFFFF  }
0x1e5: {  	(tm) =	ssettm $0x7FFFFFFF  }

</sc_bundles>
